<compile_context>
chip_gen: v7x
topology: tpu7x:2x2x1
jax: 0.10.2.dev20260603
libtpu: 0.0.44.dev20260713+nightly
codegen_flags: <defaults>
</compile_context>

<pallas_src>
import functools

import jax
import jax.numpy as jnp
from jax import lax
from jax.experimental import pallas as pl
from jax.experimental.pallas import tpu as pltpu
from jax.experimental.pallas import tpu_sc as plsc

N = 10000
E = 320000
IN_DIM = 128
HID = 32
NA = 10240
CHUNK = 128
NW = 32
KCH = 80
EP = NW * KCH * CHUNK
ROW1 = 2 * HID
DEGW = 8
ROWS_PER_TILE = NA // 16


def _relu(v):
    return jnp.maximum(v, 0.0)


def _dot(a, w):
    return jnp.dot(a, w, preferred_element_type=jnp.float32)


def _tc1_body(x_ref, w_ref, b_ref, h0_ref, h0e_ref):
    h0 = _dot(x_ref[...], w_ref[...]) + b_ref[...]
    h0_ref[...] = h0
    h0e_ref[...] = jnp.concatenate([h0, h0 * h0], axis=1)


def _tc1(x_pad, w, b, block=512):
    grid = (NA // block,)
    return pl.pallas_call(
        _tc1_body,
        grid=grid,
        in_specs=[
            pl.BlockSpec((block, IN_DIM), lambda i: (i, 0)),
            pl.BlockSpec((IN_DIM, HID), lambda i: (0, 0)),
            pl.BlockSpec((1, HID), lambda i: (0, 0)),
        ],
        out_specs=[
            pl.BlockSpec((block, HID), lambda i: (i, 0)),
            pl.BlockSpec((block, ROW1), lambda i: (i, 0)),
        ],
        out_shape=[
            jax.ShapeDtypeStruct((NA, HID), jnp.float32),
            jax.ShapeDtypeStruct((NA, ROW1), jnp.float32),
        ],
    )(x_pad, w, b)


def _make_sc_segsum_deg(width):
    mesh = plsc.VectorSubcoreMesh(core_axis_name="c", subcore_axis_name="s")

    @functools.partial(
        pl.kernel,
        out_type=[
            jax.ShapeDtypeStruct((2, NA, width), jnp.float32),
            jax.ShapeDtypeStruct((2, NA, DEGW), jnp.float32),
        ],
        mesh=mesh,
        compiler_params=pltpu.CompilerParams(use_tc_tiling_on_sc=False),
        scratch_types=[
            pltpu.VMEM((KCH, CHUNK), jnp.int32),
            pltpu.VMEM((KCH, CHUNK), jnp.int32),
            pltpu.VMEM((CHUNK, width), jnp.float32),
            pltpu.VMEM((CHUNK, width), jnp.float32),
            pltpu.VMEM((CHUNK, DEGW), jnp.float32),
            pltpu.VMEM_SHARED((NA, width), jnp.float32),
            pltpu.VMEM_SHARED((NA, DEGW), jnp.float32),
            pltpu.SemaphoreType.DMA,
            pltpu.SemaphoreType.DMA,
        ],
    )
    def sc_kernel(rows_hbm, srcm, dstm, zeros_hbm, zerosd_hbm, ones_hbm,
                  out_hbm, outd_hbm,
                  src_v, dst_v, buf0, buf1, ones_v, acc, accd, sem0, sem1):
        cid = lax.axis_index("c")
        sid = lax.axis_index("s")
        w = cid * 16 + sid
        pltpu.sync_copy(zeros_hbm.at[pl.ds(sid * ROWS_PER_TILE, ROWS_PER_TILE)],
                        acc.at[pl.ds(sid * ROWS_PER_TILE, ROWS_PER_TILE)])
        pltpu.sync_copy(zerosd_hbm.at[pl.ds(sid * ROWS_PER_TILE, ROWS_PER_TILE)],
                        accd.at[pl.ds(sid * ROWS_PER_TILE, ROWS_PER_TILE)])
        pltpu.sync_copy(srcm.at[w], src_v)
        pltpu.sync_copy(dstm.at[w], dst_v)
        pltpu.sync_copy(ones_hbm, ones_v)
        plsc.subcore_barrier()

        pltpu.async_copy(rows_hbm.at[src_v.at[0]], buf0, sem0)

        def body2(k, carry):
            j0 = 2 * k
            j1 = j0 + 1
            j2 = jnp.minimum(j0 + 2, KCH - 1)
            pltpu.make_async_copy(rows_hbm.at[src_v.at[j0]], buf0, sem0).wait()
            pltpu.async_copy(rows_hbm.at[src_v.at[j1]], buf1, sem1)
            pltpu.sync_copy(buf0, acc.at[dst_v.at[j0]], add=True)
            pltpu.sync_copy(ones_v, accd.at[dst_v.at[j0]], add=True)
            pltpu.make_async_copy(rows_hbm.at[src_v.at[j1]], buf1, sem1).wait()
            pltpu.async_copy(rows_hbm.at[src_v.at[j2]], buf0, sem0)
            pltpu.sync_copy(buf1, acc.at[dst_v.at[j1]], add=True)
            pltpu.sync_copy(ones_v, accd.at[dst_v.at[j1]], add=True)
            return carry

        lax.fori_loop(0, KCH // 2, body2, 0)
        pltpu.make_async_copy(rows_hbm.at[src_v.at[0]], buf0, sem0).wait()
        plsc.subcore_barrier()
        pltpu.sync_copy(acc.at[pl.ds(sid * ROWS_PER_TILE, ROWS_PER_TILE)],
                        out_hbm.at[cid, pl.ds(sid * ROWS_PER_TILE, ROWS_PER_TILE)])
        pltpu.sync_copy(accd.at[pl.ds(sid * ROWS_PER_TILE, ROWS_PER_TILE)],
                        outd_hbm.at[cid, pl.ds(sid * ROWS_PER_TILE, ROWS_PER_TILE)])

    return sc_kernel


def _make_sc_segsum(width):
    mesh = plsc.VectorSubcoreMesh(core_axis_name="c", subcore_axis_name="s")

    @functools.partial(
        pl.kernel,
        out_type=jax.ShapeDtypeStruct((2, NA, width), jnp.float32),
        mesh=mesh,
        compiler_params=pltpu.CompilerParams(use_tc_tiling_on_sc=False),
        scratch_types=[
            pltpu.VMEM((KCH, CHUNK), jnp.int32),
            pltpu.VMEM((KCH, CHUNK), jnp.int32),
            pltpu.VMEM((CHUNK, width), jnp.float32),
            pltpu.VMEM((CHUNK, width), jnp.float32),
            pltpu.VMEM_SHARED((NA, width), jnp.float32),
            pltpu.SemaphoreType.DMA,
            pltpu.SemaphoreType.DMA,
        ],
    )
    def sc_kernel(rows_hbm, srcm, dstm, zeros_hbm, out_hbm,
                  src_v, dst_v, buf0, buf1, acc, sem0, sem1):
        cid = lax.axis_index("c")
        sid = lax.axis_index("s")
        w = cid * 16 + sid
        pltpu.sync_copy(zeros_hbm.at[pl.ds(sid * ROWS_PER_TILE, ROWS_PER_TILE)],
                        acc.at[pl.ds(sid * ROWS_PER_TILE, ROWS_PER_TILE)])
        pltpu.sync_copy(srcm.at[w], src_v)
        pltpu.sync_copy(dstm.at[w], dst_v)
        plsc.subcore_barrier()

        pltpu.async_copy(rows_hbm.at[src_v.at[0]], buf0, sem0)

        def body2(k, carry):
            j0 = 2 * k
            j1 = j0 + 1
            j2 = jnp.minimum(j0 + 2, KCH - 1)
            pltpu.make_async_copy(rows_hbm.at[src_v.at[j0]], buf0, sem0).wait()
            pltpu.async_copy(rows_hbm.at[src_v.at[j1]], buf1, sem1)
            pltpu.sync_copy(buf0, acc.at[dst_v.at[j0]], add=True)
            pltpu.make_async_copy(rows_hbm.at[src_v.at[j1]], buf1, sem1).wait()
            pltpu.async_copy(rows_hbm.at[src_v.at[j2]], buf0, sem0)
            pltpu.sync_copy(buf1, acc.at[dst_v.at[j1]], add=True)
            return carry

        lax.fori_loop(0, KCH // 2, body2, 0)
        pltpu.make_async_copy(rows_hbm.at[src_v.at[0]], buf0, sem0).wait()
        plsc.subcore_barrier()
        pltpu.sync_copy(acc.at[pl.ds(sid * ROWS_PER_TILE, ROWS_PER_TILE)],
                        out_hbm.at[cid, pl.ds(sid * ROWS_PER_TILE, ROWS_PER_TILE)])

    return sc_kernel


def _tc2_body(h0_ref, p1_ref, pd_ref, w1, b1, w2, b2, h1_ref, st_ref, cnt_ref):
    st = p1_ref[0] + p1_ref[1]
    st_ref[...] = st
    cnt_ref[...] = pd_ref[0] + pd_ref[1]
    pre = h0_ref[...] + st[:, :HID]
    t = _relu(_dot(pre, w1[...]) + b1[...])
    h1_ref[...] = _relu(_dot(t, w2[...]) + b2[...])


def _tc2(h0, part1, partd, w1, b1, w2, b2, block=512):
    grid = (NA // block,)
    wspec = pl.BlockSpec((HID, HID), lambda i: (0, 0))
    bspec = pl.BlockSpec((1, HID), lambda i: (0, 0))
    return pl.pallas_call(
        _tc2_body,
        grid=grid,
        in_specs=[
            pl.BlockSpec((block, HID), lambda i: (i, 0)),
            pl.BlockSpec((2, block, ROW1), lambda i: (0, i, 0)),
            pl.BlockSpec((2, block, DEGW), lambda i: (0, i, 0)),
            wspec, bspec, wspec, bspec,
        ],
        out_specs=[
            pl.BlockSpec((block, HID), lambda i: (i, 0)),
            pl.BlockSpec((block, ROW1), lambda i: (i, 0)),
            pl.BlockSpec((block, DEGW), lambda i: (i, 0)),
        ],
        out_shape=[
            jax.ShapeDtypeStruct((NA, HID), jnp.float32),
            jax.ShapeDtypeStruct((NA, ROW1), jnp.float32),
            jax.ShapeDtypeStruct((NA, DEGW), jnp.float32),
        ],
    )(h0, part1, partd, w1, b1, w2, b2)


def _tc3_body(h0_ref, h1_ref, st_ref, cnt_ref, p2_ref, z_ref, *refs):
    (g1w1, g1b1, g1w2, g1b2,
     dw1, db1, dw2, db2, dw3, db3, dw4, db4,
     slw, slb, srw, srb, stw, stb,
     fw1, fb1, fw2, fb2, fw3, fb3,
     mw1, mb1, mw2, mb2, mw3, mb3,
     gw1, gb1, gw2, gb2, gw3, gb3,
     nw1, nb1, nw2, nb2, nw3, nb3, nw4, nb4,
     l1_ref, scal_ref, h0p_ref) = refs

    h0 = h0_ref[...]
    h1 = h1_ref[...]
    st = st_ref[...]
    s3 = p2_ref[0] + p2_ref[1]

    pre = h1 + s3
    t = _relu(_dot(pre, g1w1[...]) + g1b1[...])
    l1 = _dot(t, g1w2[...]) + g1b2[...]
    l1_ref[...] = l1

    t = _relu(_dot(l1, dw1[...]) + db1[...])
    t = _relu(_dot(t, dw2[...]) + db2[...])
    t = _relu(_dot(t, dw3[...]) + db3[...])
    deg = _relu(_dot(t, dw4[...]) + db4[...])

    s1 = st[:, :HID]
    s2 = st[:, HID:2 * HID]
    cnt = cnt_ref[...][:, 0:1]
    denom = jnp.maximum(cnt, 1.0)
    mean_n = s1 / denom
    mean_sq = s2 / denom
    std_raw = jnp.sqrt(_relu(mean_sq - mean_n * mean_n) + 1e-5)
    mean_neigh = (_dot(mean_n, slw[...]) + slb[...]
                  + _dot(h0, srw[...]) + srb[...])
    s = _dot(std_raw, stw[...]) + stb[...]

    t = _relu(_dot(l1, fw1[...]) + fb1[...])
    t = _relu(_dot(t, fw2[...]) + fb2[...])
    h0p_ref[...] = _dot(t, fw3[...]) + fb3[...]

    t = _relu(_dot(l1, mw1[...]) + mb1[...])
    t = _relu(_dot(t, mw2[...]) + mb2[...])
    g_mean = _dot(t, mw3[...]) + mb3[...]
    t = _relu(_dot(l1, gw1[...]) + gb1[...])
    t = _relu(_dot(t, gw2[...]) + gb2[...])
    g_sigma = _dot(t, gw3[...]) + gb3[...]
    escale = jnp.exp(g_sigma)

    def gen(var):
        t = _relu(_dot(var, nw1[...]) + nb1[...])
        t = _relu(_dot(t, nw2[...]) + nb2[...])
        t = _relu(_dot(t, nw3[...]) + nb3[...])
        return _dot(t, nw4[...]) + nb4[...]

    n0 = gen(g_mean + escale * z_ref[0])
    n1 = gen(g_mean + escale * z_ref[1])
    gen_mean = 0.5 * (n0 + n1)
    u = 0.5 * jnp.abs(n0 - n1)

    ss = jnp.sum(s * s, axis=1, keepdims=True)
    uu = jnp.sum(u * u, axis=1, keepdims=True)
    us = jnp.sum(u * s, axis=1, keepdims=True)
    det_t = 1.0 + ss
    det_g = 1.0 + uu
    trace = HID + ss - (uu + us * us) / det_g
    d = gen_mean - mean_neigh
    zq = (jnp.sum(d * d, axis=1, keepdims=True)
          - jnp.sum(u * d, axis=1, keepdims=True) ** 2 / det_g)
    kl = 0.5 * (jnp.log(det_g / det_t) - HID + trace + zq)
    br = deg.shape[0]
    scal_ref[...] = jnp.concatenate(
        [deg, det_t, det_g, trace, zq, kl, jnp.zeros((br, 2), jnp.float32)],
        axis=1)


def _tc3(h0, h1, st, cnt, part2, zpad, wlist, block=512):
    grid = (NA // block,)

    def fullspec(a):
        nd = a.ndim
        return pl.BlockSpec(a.shape, lambda i, _nd=nd: (0,) * _nd)

    in_specs = [
        pl.BlockSpec((block, HID), lambda i: (i, 0)),
        pl.BlockSpec((block, HID), lambda i: (i, 0)),
        pl.BlockSpec((block, ROW1), lambda i: (i, 0)),
        pl.BlockSpec((block, DEGW), lambda i: (i, 0)),
        pl.BlockSpec((2, block, HID), lambda i: (0, i, 0)),
        pl.BlockSpec((2, block, HID), lambda i: (0, i, 0)),
    ] + [fullspec(a) for a in wlist]
    return pl.pallas_call(
        _tc3_body,
        grid=grid,
        in_specs=in_specs,
        out_specs=[
            pl.BlockSpec((block, HID), lambda i: (i, 0)),
            pl.BlockSpec((block, 8), lambda i: (i, 0)),
            pl.BlockSpec((block, IN_DIM), lambda i: (i, 0)),
        ],
        out_shape=[
            jax.ShapeDtypeStruct((NA, HID), jnp.float32),
            jax.ShapeDtypeStruct((NA, 8), jnp.float32),
            jax.ShapeDtypeStruct((NA, IN_DIM), jnp.float32),
        ],
    )(h0, h1, st, cnt, part2, zpad, *wlist)


def _b2(b):
    return b.reshape(1, -1)


def kernel(x, edge_index, params):
    src = edge_index[0].astype(jnp.int32)
    dst = edge_index[1].astype(jnp.int32)
    pad_dst = N + (jnp.arange(EP - E, dtype=jnp.int32) % (NA - N))
    srcm = jnp.concatenate([src, jnp.zeros((EP - E,), jnp.int32)]).reshape(NW, KCH, CHUNK)
    dstm = jnp.concatenate([dst, pad_dst]).reshape(NW, KCH, CHUNK)
    x_pad = jnp.concatenate([x, jnp.zeros((NA - N, IN_DIM), jnp.float32)])
    zeros64 = jnp.zeros((NA, ROW1), jnp.float32)
    zeros32 = jnp.zeros((NA, HID), jnp.float32)
    zeros8 = jnp.zeros((NA, DEGW), jnp.float32)
    ones8 = jnp.ones((CHUNK, DEGW), jnp.float32)

    p = params
    lw, lb = p["lin"]
    h0, h0e = _tc1(x_pad, lw, _b2(lb))

    part1, partd = _make_sc_segsum_deg(ROW1)(h0e, srcm, dstm, zeros64, zeros8, ones8)

    (g0w1, g0b1), (g0w2, g0b2) = p["gin"][0]
    h1, st, cnt = _tc2(h0, part1, partd, g0w1, _b2(g0b1), g0w2, _b2(g0b2))

    part2 = _make_sc_segsum(HID)(h1, srcm, dstm, zeros32)

    z = jax.random.normal(jax.random.fold_in(jax.random.key(1), 0),
                          (2, N, HID), jnp.float32)
    zpad = jnp.concatenate([z, jnp.zeros((2, NA - N, HID), jnp.float32)], axis=1)

    wlist = []
    for (w, b) in p["gin"][1]:
        wlist += [w, _b2(b)]
    for (w, b) in p["deg"]:
        wlist += [w, _b2(b)]
    for key in ("sage_l", "sage_r", "std_lin"):
        w, b = p[key]
        wlist += [w, _b2(b)]
    for key in ("feat", "mlp_mean", "mlp_sigma", "gen"):
        for (w, b) in p[key]:
            wlist += [w, _b2(b)]

    l1, scal, h0p = _tc3(h0, h1, st, cnt, part2, zpad, wlist)

    return (h0[:N], l1[:N], scal[:N, 0:1], (h0p[:N],),
            ((scal[:N, 1], scal[:N, 2], scal[:N, 3], scal[:N, 4], scal[:N, 5]),))

# --- scband reference (transcript-rebuilt; emitter-appended) ---
"""Pipeline reference for scband-gadnrbase-90426241450737 (READ-ONLY COPY).

The authoritative reference and input builder live on the scoring server;
editing this copy changes nothing except your own understanding.
"""

import jax, jax.numpy as jnp
import numpy as np

N = 10000
E = 320000
IN_DIM = 128
HID = 32
SAMPLE_SIZE = 2
SAMPLE_TIME = 1


def _dense(key, i, o, scale=0.05):
    W = jax.random.normal(key, (i, o), jnp.float32) * scale
    b = jnp.zeros((o,), jnp.float32)
    return (W, b)


def _mlp_params(key, dims):
    return [_dense(jax.random.fold_in(key, j), i, o) for j, (i, o) in enumerate(dims)]


def setup_inputs(seed: int = 0) -> dict:
    key = jax.random.key(seed)
    ks = [jax.random.fold_in(key, i) for i in range(16)]
    x = jax.random.normal(ks[0], (N, IN_DIM), jnp.float32)
    edge_index = jax.random.randint(ks[1], (2, E), 0, N)
    params = {
        "lin": _dense(ks[2], IN_DIM, HID),
        "gin": [_mlp_params(ks[3], [(HID, HID), (HID, HID)]),
                _mlp_params(ks[4], [(HID, HID), (HID, HID)])],
        "deg": _mlp_params(ks[5], [(HID, HID), (HID, HID), (HID, HID), (HID, 1)]),
        "feat": _mlp_params(ks[6], [(HID, HID), (HID, HID), (HID, IN_DIM)]),
        "mlp_mean": _mlp_params(ks[7], [(HID, HID), (HID, HID), (HID, HID)]),
        "mlp_sigma": _mlp_params(ks[8], [(HID, HID), (HID, HID), (HID, HID)]),
        "gen": _mlp_params(ks[9], [(HID, HID), (HID, HID), (HID, HID), (HID, HID)]),
        "sage_l": _dense(ks[10], HID, HID),
        "sage_r": _dense(ks[11], HID, HID),
        "std_lin": _dense(ks[12], HID, HID),
    }
    return {"x": x, "edge_index": edge_index, "params": params}


def _mlp(params, x):
    h = x
    for W, b in params[:-1]:
        h = jax.nn.relu(h @ W + b)
    W, b = params[-1]
    return h @ W + b


def _forward(x, params, edge_index):
    src = edge_index[0]
    dst = edge_index[1]
    n = x.shape[0]
    W, b = params["lin"]
    h0 = x @ W + b
    # GIN shared encoder (eps=0): h <- MLP(h + sum_{j in N(i)} h_j)
    h = h0
    for li, mlp_p in enumerate(params["gin"]):
        agg = jax.ops.segment_sum(h[src], dst, num_segments=n)
        h = _mlp(mlp_p, h + agg)
        if li < len(params["gin"]) - 1:
            h = jax.nn.relu(h)
    l1 = h
    degree_logits = jax.nn.relu(_mlp(params["deg"], l1))
    # target neighbor distribution (detached, as in original)
    ones = jnp.ones((src.shape[0],), jnp.float32)
    cnt = jax.ops.segment_sum(ones, dst, num_segments=n)
    denom = jnp.clip(cnt, 1.0)[:, None]
    msg = h0[src]
    mean_n = jax.ops.segment_sum(msg, dst, num_segments=n) / denom
    Wl, bl = params["sage_l"]
    Wr, br = params["sage_r"]
    mean_neigh = jax.lax.stop_gradient(mean_n @ Wl + bl + h0 @ Wr + br)
    mean_sq = jax.ops.segment_sum(msg * msg, dst, num_segments=n) / denom
    std_raw = jnp.sqrt(jax.nn.relu(mean_sq - mean_n * mean_n) + 1e-5)
    Ws, bs = params["std_lin"]
    std_neigh = jax.lax.stop_gradient(std_raw @ Ws + bs)
    target_mean = mean_neigh
    target_cov0 = std_neigh[:, :, None] * std_neigh[:, None, :]
    h_dim = l1.shape[1]
    eye = jnp.eye(h_dim, dtype=jnp.float32)[None, :, :]
    feat_recon_list = []
    neigh_recon_list = []
    skey = jax.random.key(1)
    for t in range(SAMPLE_TIME):
        h0_prime = _mlp(params["feat"], l1)
        feat_recon_list.append(h0_prime)
        self_emb = jnp.broadcast_to(l1[None, :, :], (SAMPLE_SIZE, n, h_dim))
        g_mean = _mlp(params["mlp_mean"], self_emb)
        g_sigma = _mlp(params["mlp_sigma"], self_emb)
        std_z = jax.random.normal(jax.random.fold_in(skey, t), (SAMPLE_SIZE, n, h_dim), jnp.float32)
        var = g_mean + jnp.exp(g_sigma) * std_z
        nhij = _mlp(params["gen"], var)
        gen_mean = jnp.mean(nhij, axis=0)
        gen_std = jnp.std(nhij, axis=0, ddof=1)
        gen_cov = gen_std[:, :, None] * gen_std[:, None, :] / SAMPLE_SIZE
        t_cov = target_cov0 + eye
        g_cov = gen_cov + eye
        det_t = jnp.linalg.det(t_cov)
        det_g = jnp.linalg.det(g_cov)
        inv_g = jnp.linalg.inv(g_cov)
        trace = jnp.einsum('nij,nji->n', inv_g, t_cov)
        diff = gen_mean - target_mean
        zq = jnp.einsum('ni,nij,nj->n', diff, inv_g, diff)
        kl = 0.5 * (jnp.log(det_g / det_t) - h_dim + trace + zq)
        neigh_recon_list.append((det_t, det_g, trace, zq, kl))
    return (h0, l1, degree_logits, tuple(feat_recon_list), tuple(neigh_recon_list))


def reference(x, edge_index, params):
    return _forward(x, params, edge_index)

if __name__ == "__main__":
    import jax
    _d = setup_inputs()
    print(jax.jit(kernel)(*tuple(_d.values())))

</pallas_src>

<mosaic_0001>
#map = affine_map<(d0, d1) -> (0, 0)>
#map1 = affine_map<(d0, d1) -> (0, 0, 0)>
module attributes {stable_mosaic.version = 14 : i64} {
  func.func @sc_kernel(%arg0: i32, %arg1: i32, %arg2: memref<10240x64xf32, #tpu.memory_space<hbm>>, %arg3: memref<32x80x128xi32, #tpu.memory_space<hbm>>, %arg4: memref<32x80x128xi32, #tpu.memory_space<hbm>>, %arg5: memref<10240x64xf32, #tpu.memory_space<hbm>>, %arg6: memref<10240x8xf32, #tpu.memory_space<hbm>>, %arg7: memref<128x8xf32, #tpu.memory_space<hbm>>, %arg8: memref<2x10240x64xf32, #tpu.memory_space<hbm>>, %arg9: memref<2x10240x8xf32, #tpu.memory_space<hbm>>, %arg10: memref<80x128xi32, #tpu.memory_space<vmem>>, %arg11: memref<80x128xi32, #tpu.memory_space<vmem>>, %arg12: memref<128x64xf32, #tpu.memory_space<vmem>>, %arg13: memref<128x64xf32, #tpu.memory_space<vmem>>, %arg14: memref<128x8xf32, #tpu.memory_space<vmem>>, %arg15: memref<10240x64xf32, #tpu.memory_space<vmem_shared>>, %arg16: memref<10240x8xf32, #tpu.memory_space<vmem_shared>>, %arg17: memref<!tpu.dma_semaphore, #tpu.memory_space<semaphore_mem>>, %arg18: memref<!tpu.dma_semaphore, #tpu.memory_space<semaphore_mem>>) attributes {dimension_semantics = [#tpu.dimension_semantics<core_parallel>, #tpu.dimension_semantics<subcore_parallel>], iteration_bounds = array<i64: 2, 16>, scalar_prefetch = 0 : i64, scratch_operands = 9 : i64, tpu.core_type = #tpu.core_type<sc_vector_subcore>, window_params = [{transform_indices = #map}, {transform_indices = #map1}, {transform_indices = #map1}, {transform_indices = #map}, {transform_indices = #map}, {transform_indices = #map}, {transform_indices = #map1}, {transform_indices = #map1}]} {
    %mul3A = arith.constant 16 : i32
    %mul3A_0 = arith.muli %arg0, %mul3A : i32
    %add3A = arith.addi %mul3A_0, %arg1 : i32
    %mul3A_1 = arith.constant 640 : i32
    %mul3A_2 = arith.muli %arg1, %mul3A_1 : i32
    %mul3A_3 = arith.constant 640 : i32
    %mul3A_4 = arith.muli %arg1, %mul3A_3 : i32
    "tpu.region"() ({
      %run_scoped3A = tpu.sem_alloc : memref<!tpu.dma_semaphore, #tpu.memory_space<semaphore_mem>>
      %dma_start3A_35 = arith.constant 0 : i32
      %dma_start3A_36 = tpu.memref_slice %arg15[%mul3A_4, %dma_start3A_35] : memref<10240x64xf32, #tpu.memory_space<vmem_shared>> -> memref<640x64xf32, #tpu.memory_space<vmem_shared>>
      %dma_start3A_37 = arith.constant 0 : i32
      %dma_start3A_38 = tpu.memref_slice %arg5[%mul3A_2, %dma_start3A_37] : memref<10240x64xf32, #tpu.memory_space<hbm>> -> memref<640x64xf32, #tpu.memory_space<hbm>>
      tpu.enqueue_dma source(%dma_start3A_38 : memref<640x64xf32, #tpu.memory_space<hbm>>) target(%dma_start3A_36 : memref<640x64xf32, #tpu.memory_space<vmem_shared>>) target_semaphore(%run_scoped3A : memref<!tpu.dma_semaphore, #tpu.memory_space<semaphore_mem>>)
      %dma_wait3A_39 = arith.constant 0 : i32
      %dma_wait3A_40 = tpu.memref_slice %arg15[%mul3A_4, %dma_wait3A_39] : memref<10240x64xf32, #tpu.memory_space<vmem_shared>> -> memref<640x64xf32, #tpu.memory_space<vmem_shared>>
      %dma_wait3A_41 = arith.constant 0 : i32
      %dma_wait3A_42 = tpu.memref_slice %arg5[%mul3A_2, %dma_wait3A_41] : memref<10240x64xf32, #tpu.memory_space<hbm>> -> memref<640x64xf32, #tpu.memory_space<hbm>>
      tpu.wait_dma2 semaphore(%run_scoped3A : memref<!tpu.dma_semaphore, #tpu.memory_space<semaphore_mem>>) src(%dma_wait3A_42 : memref<640x64xf32, #tpu.memory_space<hbm>>) dst(%dma_wait3A_40 : memref<640x64xf32, #tpu.memory_space<vmem_shared>>)
      tpu.yield
    }) : () -> ()
    %mul3A_5 = arith.constant 640 : i32
    %mul3A_6 = arith.muli %arg1, %mul3A_5 : i32
    %mul3A_7 = arith.constant 640 : i32
    %mul3A_8 = arith.muli %arg1, %mul3A_7 : i32
    "tpu.region"() ({
      %run_scoped3A = tpu.sem_alloc : memref<!tpu.dma_semaphore, #tpu.memory_space<semaphore_mem>>
      %dma_start3A_35 = arith.constant 0 : i32
      %dma_start3A_36 = tpu.memref_slice %arg16[%mul3A_8, %dma_start3A_35] : memref<10240x8xf32, #tpu.memory_space<vmem_shared>> -> memref<640x8xf32, #tpu.memory_space<vmem_shared>>
      %dma_start3A_37 = arith.constant 0 : i32
      %dma_start3A_38 = tpu.memref_slice %arg6[%mul3A_6, %dma_start3A_37] : memref<10240x8xf32, #tpu.memory_space<hbm>> -> memref<640x8xf32, #tpu.memory_space<hbm>>
      tpu.enqueue_dma source(%dma_start3A_38 : memref<640x8xf32, #tpu.memory_space<hbm>>) target(%dma_start3A_36 : memref<640x8xf32, #tpu.memory_space<vmem_shared>>) target_semaphore(%run_scoped3A : memref<!tpu.dma_semaphore, #tpu.memory_space<semaphore_mem>>)
      %dma_wait3A_39 = arith.constant 0 : i32
      %dma_wait3A_40 = tpu.memref_slice %arg16[%mul3A_8, %dma_wait3A_39] : memref<10240x8xf32, #tpu.memory_space<vmem_shared>> -> memref<640x8xf32, #tpu.memory_space<vmem_shared>>
      %dma_wait3A_41 = arith.constant 0 : i32
      %dma_wait3A_42 = tpu.memref_slice %arg6[%mul3A_6, %dma_wait3A_41] : memref<10240x8xf32, #tpu.memory_space<hbm>> -> memref<640x8xf32, #tpu.memory_space<hbm>>
      tpu.wait_dma2 semaphore(%run_scoped3A : memref<!tpu.dma_semaphore, #tpu.memory_space<semaphore_mem>>) src(%dma_wait3A_42 : memref<640x8xf32, #tpu.memory_space<hbm>>) dst(%dma_wait3A_40 : memref<640x8xf32, #tpu.memory_space<vmem_shared>>)
      tpu.yield
    }) : () -> ()
    "tpu.region"() ({
      %run_scoped3A = tpu.sem_alloc : memref<!tpu.dma_semaphore, #tpu.memory_space<semaphore_mem>>
      %dma_start3A_35 = arith.constant 0 : i32
      %dma_start3A_36 = arith.constant 0 : i32
      %dma_start3A_37 = tpu.memref_slice %arg3[%add3A, %dma_start3A_35, %dma_start3A_36] : memref<32x80x128xi32, #tpu.memory_space<hbm>> -> memref<1x80x128xi32, #tpu.memory_space<hbm>>
      %dma_start3A_38 = tpu.memref_squeeze %dma_start3A_37 : memref<1x80x128xi32, #tpu.memory_space<hbm>> -> memref<80x128xi32, #tpu.memory_space<hbm>>
      %dma_start3A_39 = arith.constant 0 : i32
      %dma_start3A_40 = arith.constant 0 : i32
      %dma_start3A_41 = tpu.memref_slice %arg3[%add3A, %dma_start3A_39, %dma_start3A_40] : memref<32x80x128xi32, #tpu.memory_space<hbm>> -> memref<1x80x128xi32, #tpu.memory_space<hbm>>
      %dma_start3A_42 = tpu.memref_squeeze %dma_start3A_41 : memref<1x80x128xi32, #tpu.memory_space<hbm>> -> memref<80x128xi32, #tpu.memory_space<hbm>>
      tpu.enqueue_dma source(%dma_start3A_42 : memref<80x128xi32, #tpu.memory_space<hbm>>) target(%arg10 : memref<80x128xi32, #tpu.memory_space<vmem>>) target_semaphore(%run_scoped3A : memref<!tpu.dma_semaphore, #tpu.memory_space<semaphore_mem>>)
      %dma_wait3A_43 = arith.constant 0 : i32
      %dma_wait3A_44 = arith.constant 0 : i32
      %dma_wait3A_45 = tpu.memref_slice %arg3[%add3A, %dma_wait3A_43, %dma_wait3A_44] : memref<32x80x128xi32, #tpu.memory_space<hbm>> -> memref<1x80x128xi32, #tpu.memory_space<hbm>>
      %dma_wait3A_46 = tpu.memref_squeeze %dma_wait3A_45 : memref<1x80x128xi32, #tpu.memory_space<hbm>> -> memref<80x128xi32, #tpu.memory_space<hbm>>
      %dma_wait3A_47 = arith.constant 0 : i32
      %dma_wait3A_48 = arith.constant 0 : i32
      %dma_wait3A_49 = tpu.memref_slice %arg3[%add3A, %dma_wait3A_47, %dma_wait3A_48] : memref<32x80x128xi32, #tpu.memory_space<hbm>> -> memref<1x80x128xi32, #tpu.memory_space<hbm>>
      %dma_wait3A_50 = tpu.memref_squeeze %dma_wait3A_49 : memref<1x80x128xi32, #tpu.memory_space<hbm>> -> memref<80x128xi32, #tpu.memory_space<hbm>>
      tpu.wait_dma2 semaphore(%run_scoped3A : memref<!tpu.dma_semaphore, #tpu.memory_space<semaphore_mem>>) src(%dma_wait3A_50 : memref<80x128xi32, #tpu.memory_space<hbm>>) dst(%arg10 : memref<80x128xi32, #tpu.memory_space<vmem>>)
      tpu.yield
    }) : () -> ()
    "tpu.region"() ({
      %run_scoped3A = tpu.sem_alloc : memref<!tpu.dma_semaphore, #tpu.memory_space<semaphore_mem>>
      %dma_start3A_35 = arith.constant 0 : i32
      %dma_start3A_36 = arith.constant 0 : i32
      %dma_start3A_37 = tpu.memref_slice %arg4[%add3A, %dma_start3A_35, %dma_start3A_36] : memref<32x80x128xi32, #tpu.memory_space<hbm>> -> memref<1x80x128xi32, #tpu.memory_space<hbm>>
      %dma_start3A_38 = tpu.memref_squeeze %dma_start3A_37 : memref<1x80x128xi32, #tpu.memory_space<hbm>> -> memref<80x128xi32, #tpu.memory_space<hbm>>
      %dma_start3A_39 = arith.constant 0 : i32
      %dma_start3A_40 = arith.constant 0 : i32
      %dma_start3A_41 = tpu.memref_slice %arg4[%add3A, %dma_start3A_39, %dma_start3A_40] : memref<32x80x128xi32, #tpu.memory_space<hbm>> -> memref<1x80x128xi32, #tpu.memory_space<hbm>>
      %dma_start3A_42 = tpu.memref_squeeze %dma_start3A_41 : memref<1x80x128xi32, #tpu.memory_space<hbm>> -> memref<80x128xi32, #tpu.memory_space<hbm>>
      tpu.enqueue_dma source(%dma_start3A_42 : memref<80x128xi32, #tpu.memory_space<hbm>>) target(%arg11 : memref<80x128xi32, #tpu.memory_space<vmem>>) target_semaphore(%run_scoped3A : memref<!tpu.dma_semaphore, #tpu.memory_space<semaphore_mem>>)
      %dma_wait3A_43 = arith.constant 0 : i32
      %dma_wait3A_44 = arith.constant 0 : i32
      %dma_wait3A_45 = tpu.memref_slice %arg4[%add3A, %dma_wait3A_43, %dma_wait3A_44] : memref<32x80x128xi32, #tpu.memory_space<hbm>> -> memref<1x80x128xi32, #tpu.memory_space<hbm>>
      %dma_wait3A_46 = tpu.memref_squeeze %dma_wait3A_45 : memref<1x80x128xi32, #tpu.memory_space<hbm>> -> memref<80x128xi32, #tpu.memory_space<hbm>>
      %dma_wait3A_47 = arith.constant 0 : i32
      %dma_wait3A_48 = arith.constant 0 : i32
      %dma_wait3A_49 = tpu.memref_slice %arg4[%add3A, %dma_wait3A_47, %dma_wait3A_48] : memref<32x80x128xi32, #tpu.memory_space<hbm>> -> memref<1x80x128xi32, #tpu.memory_space<hbm>>
      %dma_wait3A_50 = tpu.memref_squeeze %dma_wait3A_49 : memref<1x80x128xi32, #tpu.memory_space<hbm>> -> memref<80x128xi32, #tpu.memory_space<hbm>>
      tpu.wait_dma2 semaphore(%run_scoped3A : memref<!tpu.dma_semaphore, #tpu.memory_space<semaphore_mem>>) src(%dma_wait3A_50 : memref<80x128xi32, #tpu.memory_space<hbm>>) dst(%arg11 : memref<80x128xi32, #tpu.memory_space<vmem>>)
      tpu.yield
    }) : () -> ()
    "tpu.region"() ({
      %run_scoped3A = tpu.sem_alloc : memref<!tpu.dma_semaphore, #tpu.memory_space<semaphore_mem>>
      tpu.enqueue_dma source(%arg7 : memref<128x8xf32, #tpu.memory_space<hbm>>) target(%arg14 : memref<128x8xf32, #tpu.memory_space<vmem>>) target_semaphore(%run_scoped3A : memref<!tpu.dma_semaphore, #tpu.memory_space<semaphore_mem>>)
      tpu.wait_dma2 semaphore(%run_scoped3A : memref<!tpu.dma_semaphore, #tpu.memory_space<semaphore_mem>>) src(%arg7 : memref<128x8xf32, #tpu.memory_space<hbm>>) dst(%arg14 : memref<128x8xf32, #tpu.memory_space<vmem>>)
      tpu.yield
    }) : () -> ()
    %barrier3A = arith.constant 0 : index
    tpu.barrier barrier_id(%barrier3A)
    %dma_start3A = arith.constant 0 : i32
    %dma_start3A_9 = arith.constant 0 : i32
    %dma_start3A_10 = tpu.memref_slice %arg10[%dma_start3A, %dma_start3A_9] : memref<80x128xi32, #tpu.memory_space<vmem>> -> memref<1x128xi32, #tpu.memory_space<vmem>>
    %dma_start3A_11 = tpu.memref_squeeze %dma_start3A_10 : memref<1x128xi32, #tpu.memory_space<vmem>> -> memref<128xi32, #tpu.memory_space<vmem>>
    %dma_start3A_12 = arith.constant 0 : i32
    %dma_start3A_13 = arith.constant 0 : i32
    %dma_start3A_14 = tpu.memref_slice %arg2[%dma_start3A_12, %dma_start3A_13] : memref<10240x64xf32, #tpu.memory_space<hbm>> -> memref<10240x64xf32, #tpu.memory_space<hbm>>
    tpu.enqueue_indirect_dma source(%dma_start3A_14 : memref<10240x64xf32, #tpu.memory_space<hbm>>) target(%arg12 : memref<128x64xf32, #tpu.memory_space<vmem>>) offsets(%dma_start3A_11 : memref<128xi32, #tpu.memory_space<vmem>>) semaphore(%arg17 : memref<!tpu.dma_semaphore, #tpu.memory_space<semaphore_mem>>)
    %scan3A = arith.constant 0 : i32
    %scan3A_15 = arith.constant 0 : i32
    %scan3A_16 = arith.constant 40 : i32
    %scan3A_17 = arith.addi %scan3A_15, %scan3A_16 : i32
    %scan3A_18 = arith.constant 1 : i32
    scf.for %scan3A_35 = %scan3A_15 to %scan3A_17 step %scan3A_18  : i32 {
      %mul3A_36 = arith.constant 2 : i32
      %mul3A_37 = arith.muli %mul3A_36, %scan3A_35 : i32
      %add3A_38 = arith.constant 1 : i32
      %add3A_39 = arith.addi %mul3A_37, %add3A_38 : i32
      %add3A_40 = arith.constant 2 : i32
      %add3A_41 = arith.addi %mul3A_37, %add3A_40 : i32
      %min3A = arith.constant 79 : i32
      %min3A_42 = arith.minsi %add3A_41, %min3A : i32
      %dma_wait3A_43 = arith.constant 0 : i32
      %dma_wait3A_44 = tpu.memref_slice %arg10[%mul3A_37, %dma_wait3A_43] : memref<80x128xi32, #tpu.memory_space<vmem>> -> memref<1x128xi32, #tpu.memory_space<vmem>>
      %dma_wait3A_45 = tpu.memref_squeeze %dma_wait3A_44 : memref<1x128xi32, #tpu.memory_space<vmem>> -> memref<128xi32, #tpu.memory_space<vmem>>
      %dma_wait3A_46 = arith.constant 0 : i32
      %dma_wait3A_47 = arith.constant 0 : i32
      %dma_wait3A_48 = tpu.memref_slice %arg2[%dma_wait3A_46, %dma_wait3A_47] : memref<10240x64xf32, #tpu.memory_space<hbm>> -> memref<10240x64xf32, #tpu.memory_space<hbm>>
      tpu.wait_indirect_dma semaphore(%arg17 : memref<!tpu.dma_semaphore, #tpu.memory_space<semaphore_mem>>) src(%dma_wait3A_48 : memref<10240x64xf32, #tpu.memory_space<hbm>>) dst(%arg12 : memref<128x64xf32, #tpu.memory_space<vmem>>)
      %dma_start3A_49 = arith.constant 0 : i32
      %dma_start3A_50 = tpu.memref_slice %arg10[%add3A_39, %dma_start3A_49] : memref<80x128xi32, #tpu.memory_space<vmem>> -> memref<1x128xi32, #tpu.memory_space<vmem>>
      %dma_start3A_51 = tpu.memref_squeeze %dma_start3A_50 : memref<1x128xi32, #tpu.memory_space<vmem>> -> memref<128xi32, #tpu.memory_space<vmem>>
      %dma_start3A_52 = arith.constant 0 : i32
      %dma_start3A_53 = arith.constant 0 : i32
      %dma_start3A_54 = tpu.memref_slice %arg2[%dma_start3A_52, %dma_start3A_53] : memref<10240x64xf32, #tpu.memory_space<hbm>> -> memref<10240x64xf32, #tpu.memory_space<hbm>>
      tpu.enqueue_indirect_dma source(%dma_start3A_54 : memref<10240x64xf32, #tpu.memory_space<hbm>>) target(%arg13 : memref<128x64xf32, #tpu.memory_space<vmem>>) offsets(%dma_start3A_51 : memref<128xi32, #tpu.memory_space<vmem>>) semaphore(%arg18 : memref<!tpu.dma_semaphore, #tpu.memory_space<semaphore_mem>>)
      "tpu.region"() ({
        %run_scoped3A = tpu.sem_alloc : memref<!tpu.dma_semaphore, #tpu.memory_space<semaphore_mem>>
        %dma_start3A_67 = arith.constant 0 : i32
        %dma_start3A_68 = tpu.memref_slice %arg11[%mul3A_37, %dma_start3A_67] : memref<80x128xi32, #tpu.memory_space<vmem>> -> memref<1x128xi32, #tpu.memory_space<vmem>>
        %dma_start3A_69 = tpu.memref_squeeze %dma_start3A_68 : memref<1x128xi32, #tpu.memory_space<vmem>> -> memref<128xi32, #tpu.memory_space<vmem>>
        %dma_start3A_70 = arith.constant 0 : i32
        %dma_start3A_71 = arith.constant 0 : i32
        %dma_start3A_72 = tpu.memref_slice %arg15[%dma_start3A_70, %dma_start3A_71] : memref<10240x64xf32, #tpu.memory_space<vmem_shared>> -> memref<10240x64xf32, #tpu.memory_space<vmem_shared>>
        tpu.enqueue_indirect_dma source(%arg12 : memref<128x64xf32, #tpu.memory_space<vmem>>) target(%dma_start3A_72 : memref<10240x64xf32, #tpu.memory_space<vmem_shared>>) offsets(%dma_start3A_69 : memref<128xi32, #tpu.memory_space<vmem>>) semaphore(%run_scoped3A : memref<!tpu.dma_semaphore, #tpu.memory_space<semaphore_mem>>) {add = true}
        %dma_wait3A_73 = arith.constant 0 : i32
        %dma_wait3A_74 = tpu.memref_slice %arg11[%mul3A_37, %dma_wait3A_73] : memref<80x128xi32, #tpu.memory_space<vmem>> -> memref<1x128xi32, #tpu.memory_space<vmem>>
        %dma_wait3A_75 = tpu.memref_squeeze %dma_wait3A_74 : memref<1x128xi32, #tpu.memory_space<vmem>> -> memref<128xi32, #tpu.memory_space<vmem>>
        %dma_wait3A_76 = arith.constant 0 : i32
        %dma_wait3A_77 = arith.constant 0 : i32
        %dma_wait3A_78 = tpu.memref_slice %arg15[%dma_wait3A_76, %dma_wait3A_77] : memref<10240x64xf32, #tpu.memory_space<vmem_shared>> -> memref<10240x64xf32, #tpu.memory_space<vmem_shared>>
        tpu.wait_indirect_dma semaphore(%run_scoped3A : memref<!tpu.dma_semaphore, #tpu.memory_space<semaphore_mem>>) src(%arg12 : memref<128x64xf32, #tpu.memory_space<vmem>>) dst(%dma_wait3A_78 : memref<10240x64xf32, #tpu.memory_space<vmem_shared>>)
        tpu.yield
      }) : () -> ()
      "tpu.region"() ({
        %run_scoped3A = tpu.sem_alloc : memref<!tpu.dma_semaphore, #tpu.memory_space<semaphore_mem>>
        %dma_start3A_67 = arith.constant 0 : i32
        %dma_start3A_68 = tpu.memref_slice %arg11[%mul3A_37, %dma_start3A_67] : memref<80x128xi32, #tpu.memory_space<vmem>> -> memref<1x128xi32, #tpu.memory_space<vmem>>
        %dma_start3A_69 = tpu.memref_squeeze %dma_start3A_68 : memref<1x128xi32, #tpu.memory_space<vmem>> -> memref<128xi32, #tpu.memory_space<vmem>>
        %dma_start3A_70 = arith.constant 0 : i32
        %dma_start3A_71 = arith.constant 0 : i32
        %dma_start3A_72 = tpu.memref_slice %arg16[%dma_start3A_70, %dma_start3A_71] : memref<10240x8xf32, #tpu.memory_space<vmem_shared>> -> memref<10240x8xf32, #tpu.memory_space<vmem_shared>>
        tpu.enqueue_indirect_dma source(%arg14 : memref<128x8xf32, #tpu.memory_space<vmem>>) target(%dma_start3A_72 : memref<10240x8xf32, #tpu.memory_space<vmem_shared>>) offsets(%dma_start3A_69 : memref<128xi32, #tpu.memory_space<vmem>>) semaphore(%run_scoped3A : memref<!tpu.dma_semaphore, #tpu.memory_space<semaphore_mem>>) {add = true}
        %dma_wait3A_73 = arith.constant 0 : i32
        %dma_wait3A_74 = tpu.memref_slice %arg11[%mul3A_37, %dma_wait3A_73] : memref<80x128xi32, #tpu.memory_space<vmem>> -> memref<1x128xi32, #tpu.memory_space<vmem>>
        %dma_wait3A_75 = tpu.memref_squeeze %dma_wait3A_74 : memref<1x128xi32, #tpu.memory_space<vmem>> -> memref<128xi32, #tpu.memory_space<vmem>>
        %dma_wait3A_76 = arith.constant 0 : i32
        %dma_wait3A_77 = arith.constant 0 : i32
        %dma_wait3A_78 = tpu.memref_slice %arg16[%dma_wait3A_76, %dma_wait3A_77] : memref<10240x8xf32, #tpu.memory_space<vmem_shared>> -> memref<10240x8xf32, #tpu.memory_space<vmem_shared>>
        tpu.wait_indirect_dma semaphore(%run_scoped3A : memref<!tpu.dma_semaphore, #tpu.memory_space<semaphore_mem>>) src(%arg14 : memref<128x8xf32, #tpu.memory_space<vmem>>) dst(%dma_wait3A_78 : memref<10240x8xf32, #tpu.memory_space<vmem_shared>>)
        tpu.yield
      }) : () -> ()
      %dma_wait3A_55 = arith.constant 0 : i32
      %dma_wait3A_56 = tpu.memref_slice %arg10[%add3A_39, %dma_wait3A_55] : memref<80x128xi32, #tpu.memory_space<vmem>> -> memref<1x128xi32, #tpu.memory_space<vmem>>
      %dma_wait3A_57 = tpu.memref_squeeze %dma_wait3A_56 : memref<1x128xi32, #tpu.memory_space<vmem>> -> memref<128xi32, #tpu.memory_space<vmem>>
      %dma_wait3A_58 = arith.constant 0 : i32
      %dma_wait3A_59 = arith.constant 0 : i32
      %dma_wait3A_60 = tpu.memref_slice %arg2[%dma_wait3A_58, %dma_wait3A_59] : memref<10240x64xf32, #tpu.memory_space<hbm>> -> memref<10240x64xf32, #tpu.memory_space<hbm>>
      tpu.wait_indirect_dma semaphore(%arg18 : memref<!tpu.dma_semaphore, #tpu.memory_space<semaphore_mem>>) src(%dma_wait3A_60 : memref<10240x64xf32, #tpu.memory_space<hbm>>) dst(%arg13 : memref<128x64xf32, #tpu.memory_space<vmem>>)
      %dma_start3A_61 = arith.constant 0 : i32
      %dma_start3A_62 = tpu.memref_slice %arg10[%min3A_42, %dma_start3A_61] : memref<80x128xi32, #tpu.memory_space<vmem>> -> memref<1x128xi32, #tpu.memory_space<vmem>>
      %dma_start3A_63 = tpu.memref_squeeze %dma_start3A_62 : memref<1x128xi32, #tpu.memory_space<vmem>> -> memref<128xi32, #tpu.memory_space<vmem>>
      %dma_start3A_64 = arith.constant 0 : i32
      %dma_start3A_65 = arith.constant 0 : i32
      %dma_start3A_66 = tpu.memref_slice %arg2[%dma_start3A_64, %dma_start3A_65] : memref<10240x64xf32, #tpu.memory_space<hbm>> -> memref<10240x64xf32, #tpu.memory_space<hbm>>
      tpu.enqueue_indirect_dma source(%dma_start3A_66 : memref<10240x64xf32, #tpu.memory_space<hbm>>) target(%arg12 : memref<128x64xf32, #tpu.memory_space<vmem>>) offsets(%dma_start3A_63 : memref<128xi32, #tpu.memory_space<vmem>>) semaphore(%arg17 : memref<!tpu.dma_semaphore, #tpu.memory_space<semaphore_mem>>)
      "tpu.region"() ({
        %run_scoped3A = tpu.sem_alloc : memref<!tpu.dma_semaphore, #tpu.memory_space<semaphore_mem>>
        %dma_start3A_67 = arith.constant 0 : i32
        %dma_start3A_68 = tpu.memref_slice %arg11[%add3A_39, %dma_start3A_67] : memref<80x128xi32, #tpu.memory_space<vmem>> -> memref<1x128xi32, #tpu.memory_space<vmem>>
        %dma_start3A_69 = tpu.memref_squeeze %dma_start3A_68 : memref<1x128xi32, #tpu.memory_space<vmem>> -> memref<128xi32, #tpu.memory_space<vmem>>
        %dma_start3A_70 = arith.constant 0 : i32
        %dma_start3A_71 = arith.constant 0 : i32
        %dma_start3A_72 = tpu.memref_slice %arg15[%dma_start3A_70, %dma_start3A_71] : memref<10240x64xf32, #tpu.memory_space<vmem_shared>> -> memref<10240x64xf32, #tpu.memory_space<vmem_shared>>
        tpu.enqueue_indirect_dma source(%arg13 : memref<128x64xf32, #tpu.memory_space<vmem>>) target(%dma_start3A_72 : memref<10240x64xf32, #tpu.memory_space<vmem_shared>>) offsets(%dma_start3A_69 : memref<128xi32, #tpu.memory_space<vmem>>) semaphore(%run_scoped3A : memref<!tpu.dma_semaphore, #tpu.memory_space<semaphore_mem>>) {add = true}
        %dma_wait3A_73 = arith.constant 0 : i32
        %dma_wait3A_74 = tpu.memref_slice %arg11[%add3A_39, %dma_wait3A_73] : memref<80x128xi32, #tpu.memory_space<vmem>> -> memref<1x128xi32, #tpu.memory_space<vmem>>
        %dma_wait3A_75 = tpu.memref_squeeze %dma_wait3A_74 : memref<1x128xi32, #tpu.memory_space<vmem>> -> memref<128xi32, #tpu.memory_space<vmem>>
        %dma_wait3A_76 = arith.constant 0 : i32
        %dma_wait3A_77 = arith.constant 0 : i32
        %dma_wait3A_78 = tpu.memref_slice %arg15[%dma_wait3A_76, %dma_wait3A_77] : memref<10240x64xf32, #tpu.memory_space<vmem_shared>> -> memref<10240x64xf32, #tpu.memory_space<vmem_shared>>
        tpu.wait_indirect_dma semaphore(%run_scoped3A : memref<!tpu.dma_semaphore, #tpu.memory_space<semaphore_mem>>) src(%arg13 : memref<128x64xf32, #tpu.memory_space<vmem>>) dst(%dma_wait3A_78 : memref<10240x64xf32, #tpu.memory_space<vmem_shared>>)
        tpu.yield
      }) : () -> ()
      "tpu.region"() ({
        %run_scoped3A = tpu.sem_alloc : memref<!tpu.dma_semaphore, #tpu.memory_space<semaphore_mem>>
        %dma_start3A_67 = arith.constant 0 : i32
        %dma_start3A_68 = tpu.memref_slice %arg11[%add3A_39, %dma_start3A_67] : memref<80x128xi32, #tpu.memory_space<vmem>> -> memref<1x128xi32, #tpu.memory_space<vmem>>
        %dma_start3A_69 = tpu.memref_squeeze %dma_start3A_68 : memref<1x128xi32, #tpu.memory_space<vmem>> -> memref<128xi32, #tpu.memory_space<vmem>>
        %dma_start3A_70 = arith.constant 0 : i32
        %dma_start3A_71 = arith.constant 0 : i32
        %dma_start3A_72 = tpu.memref_slice %arg16[%dma_start3A_70, %dma_start3A_71] : memref<10240x8xf32, #tpu.memory_space<vmem_shared>> -> memref<10240x8xf32, #tpu.memory_space<vmem_shared>>
        tpu.enqueue_indirect_dma source(%arg14 : memref<128x8xf32, #tpu.memory_space<vmem>>) target(%dma_start3A_72 : memref<10240x8xf32, #tpu.memory_space<vmem_shared>>) offsets(%dma_start3A_69 : memref<128xi32, #tpu.memory_space<vmem>>) semaphore(%run_scoped3A : memref<!tpu.dma_semaphore, #tpu.memory_space<semaphore_mem>>) {add = true}
        %dma_wait3A_73 = arith.constant 0 : i32
        %dma_wait3A_74 = tpu.memref_slice %arg11[%add3A_39, %dma_wait3A_73] : memref<80x128xi32, #tpu.memory_space<vmem>> -> memref<1x128xi32, #tpu.memory_space<vmem>>
        %dma_wait3A_75 = tpu.memref_squeeze %dma_wait3A_74 : memref<1x128xi32, #tpu.memory_space<vmem>> -> memref<128xi32, #tpu.memory_space<vmem>>
        %dma_wait3A_76 = arith.constant 0 : i32
        %dma_wait3A_77 = arith.constant 0 : i32
        %dma_wait3A_78 = tpu.memref_slice %arg16[%dma_wait3A_76, %dma_wait3A_77] : memref<10240x8xf32, #tpu.memory_space<vmem_shared>> -> memref<10240x8xf32, #tpu.memory_space<vmem_shared>>
        tpu.wait_indirect_dma semaphore(%run_scoped3A : memref<!tpu.dma_semaphore, #tpu.memory_space<semaphore_mem>>) src(%arg14 : memref<128x8xf32, #tpu.memory_space<vmem>>) dst(%dma_wait3A_78 : memref<10240x8xf32, #tpu.memory_space<vmem_shared>>)
        tpu.yield
      }) : () -> ()
    }
    %scan3A_19 = arith.constant 40 : i32
    %dma_wait3A = arith.constant 0 : i32
    %dma_wait3A_20 = arith.constant 0 : i32
    %dma_wait3A_21 = tpu.memref_slice %arg10[%dma_wait3A, %dma_wait3A_20] : memref<80x128xi32, #tpu.memory_space<vmem>> -> memref<1x128xi32, #tpu.memory_space<vmem>>
    %dma_wait3A_22 = tpu.memref_squeeze %dma_wait3A_21 : memref<1x128xi32, #tpu.memory_space<vmem>> -> memref<128xi32, #tpu.memory_space<vmem>>
    %dma_wait3A_23 = arith.constant 0 : i32
    %dma_wait3A_24 = arith.constant 0 : i32
    %dma_wait3A_25 = tpu.memref_slice %arg2[%dma_wait3A_23, %dma_wait3A_24] : memref<10240x64xf32, #tpu.memory_space<hbm>> -> memref<10240x64xf32, #tpu.memory_space<hbm>>
    tpu.wait_indirect_dma semaphore(%arg17 : memref<!tpu.dma_semaphore, #tpu.memory_space<semaphore_mem>>) src(%dma_wait3A_25 : memref<10240x64xf32, #tpu.memory_space<hbm>>) dst(%arg12 : memref<128x64xf32, #tpu.memory_space<vmem>>)
    %barrier3A_26 = arith.constant 0 : index
    tpu.barrier barrier_id(%barrier3A_26)
    %mul3A_27 = arith.constant 640 : i32
    %mul3A_28 = arith.muli %arg1, %mul3A_27 : i32
    %mul3A_29 = arith.constant 640 : i32
    %mul3A_30 = arith.muli %arg1, %mul3A_29 : i32
    "tpu.region"() ({
      %run_scoped3A = tpu.sem_alloc : memref<!tpu.dma_semaphore, #tpu.memory_space<semaphore_mem>>
      %dma_start3A_35 = arith.constant 0 : i32
      %dma_start3A_36 = tpu.memref_slice %arg8[%arg0, %mul3A_30, %dma_start3A_35] : memref<2x10240x64xf32, #tpu.memory_space<hbm>> -> memref<1x640x64xf32, #tpu.memory_space<hbm>>
      %dma_start3A_37 = tpu.memref_squeeze %dma_start3A_36 : memref<1x640x64xf32, #tpu.memory_space<hbm>> -> memref<640x64xf32, #tpu.memory_space<hbm>>
      %dma_start3A_38 = arith.constant 0 : i32
      %dma_start3A_39 = tpu.memref_slice %arg15[%mul3A_28, %dma_start3A_38] : memref<10240x64xf32, #tpu.memory_space<vmem_shared>> -> memref<640x64xf32, #tpu.memory_space<vmem_shared>>
      tpu.enqueue_dma source(%dma_start3A_39 : memref<640x64xf32, #tpu.memory_space<vmem_shared>>) target(%dma_start3A_37 : memref<640x64xf32, #tpu.memory_space<hbm>>) target_semaphore(%run_scoped3A : memref<!tpu.dma_semaphore, #tpu.memory_space<semaphore_mem>>)
      %dma_wait3A_40 = arith.constant 0 : i32
      %dma_wait3A_41 = tpu.memref_slice %arg8[%arg0, %mul3A_30, %dma_wait3A_40] : memref<2x10240x64xf32, #tpu.memory_space<hbm>> -> memref<1x640x64xf32, #tpu.memory_space<hbm>>
      %dma_wait3A_42 = tpu.memref_squeeze %dma_wait3A_41 : memref<1x640x64xf32, #tpu.memory_space<hbm>> -> memref<640x64xf32, #tpu.memory_space<hbm>>
      %dma_wait3A_43 = arith.constant 0 : i32
      %dma_wait3A_44 = tpu.memref_slice %arg15[%mul3A_28, %dma_wait3A_43] : memref<10240x64xf32, #tpu.memory_space<vmem_shared>> -> memref<640x64xf32, #tpu.memory_space<vmem_shared>>
      tpu.wait_dma2 semaphore(%run_scoped3A : memref<!tpu.dma_semaphore, #tpu.memory_space<semaphore_mem>>) src(%dma_wait3A_44 : memref<640x64xf32, #tpu.memory_space<vmem_shared>>) dst(%dma_wait3A_42 : memref<640x64xf32, #tpu.memory_space<hbm>>)
      tpu.yield
    }) : () -> ()
    %mul3A_31 = arith.constant 640 : i32
    %mul3A_32 = arith.muli %arg1, %mul3A_31 : i32
    %mul3A_33 = arith.constant 640 : i32
    %mul3A_34 = arith.muli %arg1, %mul3A_33 : i32
    "tpu.region"() ({
      %run_scoped3A = tpu.sem_alloc : memref<!tpu.dma_semaphore, #tpu.memory_space<semaphore_mem>>
      %dma_start3A_35 = arith.constant 0 : i32
      %dma_start3A_36 = tpu.memref_slice %arg9[%arg0, %mul3A_34, %dma_start3A_35] : memref<2x10240x8xf32, #tpu.memory_space<hbm>> -> memref<1x640x8xf32, #tpu.memory_space<hbm>>
      %dma_start3A_37 = tpu.memref_squeeze %dma_start3A_36 : memref<1x640x8xf32, #tpu.memory_space<hbm>> -> memref<640x8xf32, #tpu.memory_space<hbm>>
      %dma_start3A_38 = arith.constant 0 : i32
      %dma_start3A_39 = tpu.memref_slice %arg16[%mul3A_32, %dma_start3A_38] : memref<10240x8xf32, #tpu.memory_space<vmem_shared>> -> memref<640x8xf32, #tpu.memory_space<vmem_shared>>
      tpu.enqueue_dma source(%dma_start3A_39 : memref<640x8xf32, #tpu.memory_space<vmem_shared>>) target(%dma_start3A_37 : memref<640x8xf32, #tpu.memory_space<hbm>>) target_semaphore(%run_scoped3A : memref<!tpu.dma_semaphore, #tpu.memory_space<semaphore_mem>>)
      %dma_wait3A_40 = arith.constant 0 : i32
      %dma_wait3A_41 = tpu.memref_slice %arg9[%arg0, %mul3A_34, %dma_wait3A_40] : memref<2x10240x8xf32, #tpu.memory_space<hbm>> -> memref<1x640x8xf32, #tpu.memory_space<hbm>>
      %dma_wait3A_42 = tpu.memref_squeeze %dma_wait3A_41 : memref<1x640x8xf32, #tpu.memory_space<hbm>> -> memref<640x8xf32, #tpu.memory_space<hbm>>
      %dma_wait3A_43 = arith.constant 0 : i32
      %dma_wait3A_44 = tpu.memref_slice %arg16[%mul3A_32, %dma_wait3A_43] : memref<10240x8xf32, #tpu.memory_space<vmem_shared>> -> memref<640x8xf32, #tpu.memory_space<vmem_shared>>
      tpu.wait_dma2 semaphore(%run_scoped3A : memref<!tpu.dma_semaphore, #tpu.memory_space<semaphore_mem>>) src(%dma_wait3A_44 : memref<640x8xf32, #tpu.memory_space<vmem_shared>>) dst(%dma_wait3A_42 : memref<640x8xf32, #tpu.memory_space<hbm>>)
      tpu.yield
    }) : () -> ()
    return
  }
}

#map = affine_map<(d0, d1) -> (0, 0)>
#map1 = affine_map<(d0, d1) -> (0, 0, 0)>
module attributes {stable_mosaic.version = 14 : i64} {
  func.func @sc_kernel(%arg0: i32, %arg1: i32, %arg2: memref<10240x32xf32, #tpu.memory_space<hbm>>, %arg3: memref<32x80x128xi32, #tpu.memory_space<hbm>>, %arg4: memref<32x80x128xi32, #tpu.memory_space<hbm>>, %arg5: memref<10240x32xf32, #tpu.memory_space<hbm>>, %arg6: memref<2x10240x32xf32, #tpu.memory_space<hbm>>, %arg7: memref<80x128xi32, #tpu.memory_space<vmem>>, %arg8: memref<80x128xi32, #tpu.memory_space<vmem>>, %arg9: memref<128x32xf32, #tpu.memory_space<vmem>>, %arg10: memref<128x32xf32, #tpu.memory_space<vmem>>, %arg11: memref<10240x32xf32, #tpu.memory_space<vmem_shared>>, %arg12: memref<!tpu.dma_semaphore, #tpu.memory_space<semaphore_mem>>, %arg13: memref<!tpu.dma_semaphore, #tpu.memory_space<semaphore_mem>>) attributes {dimension_semantics = [#tpu.dimension_semantics<core_parallel>, #tpu.dimension_semantics<subcore_parallel>], iteration_bounds = array<i64: 2, 16>, scalar_prefetch = 0 : i64, scratch_operands = 7 : i64, tpu.core_type = #tpu.core_type<sc_vector_subcore>, window_params = [{transform_indices = #map}, {transform_indices = #map1}, {transform_indices = #map1}, {transform_indices = #map}, {transform_indices = #map1}]} {
    %mul3A = arith.constant 16 : i32
    %mul3A_0 = arith.muli %arg0, %mul3A : i32
    %add3A = arith.addi %mul3A_0, %arg1 : i32
    %mul3A_1 = arith.constant 640 : i32
    %mul3A_2 = arith.muli %arg1, %mul3A_1 : i32
    %mul3A_3 = arith.constant 640 : i32
    %mul3A_4 = arith.muli %arg1, %mul3A_3 : i32
    "tpu.region"() ({
      %run_scoped3A = tpu.sem_alloc : memref<!tpu.dma_semaphore, #tpu.memory_space<semaphore_mem>>
      %dma_start3A_27 = arith.constant 0 : i32
      %dma_start3A_28 = tpu.memref_slice %arg11[%mul3A_4, %dma_start3A_27] : memref<10240x32xf32, #tpu.memory_space<vmem_shared>> -> memref<640x32xf32, #tpu.memory_space<vmem_shared>>
      %dma_start3A_29 = arith.constant 0 : i32
      %dma_start3A_30 = tpu.memref_slice %arg5[%mul3A_2, %dma_start3A_29] : memref<10240x32xf32, #tpu.memory_space<hbm>> -> memref<640x32xf32, #tpu.memory_space<hbm>>
      tpu.enqueue_dma source(%dma_start3A_30 : memref<640x32xf32, #tpu.memory_space<hbm>>) target(%dma_start3A_28 : memref<640x32xf32, #tpu.memory_space<vmem_shared>>) target_semaphore(%run_scoped3A : memref<!tpu.dma_semaphore, #tpu.memory_space<semaphore_mem>>)
      %dma_wait3A_31 = arith.constant 0 : i32
      %dma_wait3A_32 = tpu.memref_slice %arg11[%mul3A_4, %dma_wait3A_31] : memref<10240x32xf32, #tpu.memory_space<vmem_shared>> -> memref<640x32xf32, #tpu.memory_space<vmem_shared>>
      %dma_wait3A_33 = arith.constant 0 : i32
      %dma_wait3A_34 = tpu.memref_slice %arg5[%mul3A_2, %dma_wait3A_33] : memref<10240x32xf32, #tpu.memory_space<hbm>> -> memref<640x32xf32, #tpu.memory_space<hbm>>
      tpu.wait_dma2 semaphore(%run_scoped3A : memref<!tpu.dma_semaphore, #tpu.memory_space<semaphore_mem>>) src(%dma_wait3A_34 : memref<640x32xf32, #tpu.memory_space<hbm>>) dst(%dma_wait3A_32 : memref<640x32xf32, #tpu.memory_space<vmem_shared>>)
      tpu.yield
    }) : () -> ()
    "tpu.region"() ({
      %run_scoped3A = tpu.sem_alloc : memref<!tpu.dma_semaphore, #tpu.memory_space<semaphore_mem>>
      %dma_start3A_27 = arith.constant 0 : i32
      %dma_start3A_28 = arith.constant 0 : i32
      %dma_start3A_29 = tpu.memref_slice %arg3[%add3A, %dma_start3A_27, %dma_start3A_28] : memref<32x80x128xi32, #tpu.memory_space<hbm>> -> memref<1x80x128xi32, #tpu.memory_space<hbm>>
      %dma_start3A_30 = tpu.memref_squeeze %dma_start3A_29 : memref<1x80x128xi32, #tpu.memory_space<hbm>> -> memref<80x128xi32, #tpu.memory_space<hbm>>
      %dma_start3A_31 = arith.constant 0 : i32
      %dma_start3A_32 = arith.constant 0 : i32
      %dma_start3A_33 = tpu.memref_slice %arg3[%add3A, %dma_start3A_31, %dma_start3A_32] : memref<32x80x128xi32, #tpu.memory_space<hbm>> -> memref<1x80x128xi32, #tpu.memory_space<hbm>>
      %dma_start3A_34 = tpu.memref_squeeze %dma_start3A_33 : memref<1x80x128xi32, #tpu.memory_space<hbm>> -> memref<80x128xi32, #tpu.memory_space<hbm>>
      tpu.enqueue_dma source(%dma_start3A_34 : memref<80x128xi32, #tpu.memory_space<hbm>>) target(%arg7 : memref<80x128xi32, #tpu.memory_space<vmem>>) target_semaphore(%run_scoped3A : memref<!tpu.dma_semaphore, #tpu.memory_space<semaphore_mem>>)
      %dma_wait3A_35 = arith.constant 0 : i32
      %dma_wait3A_36 = arith.constant 0 : i32
      %dma_wait3A_37 = tpu.memref_slice %arg3[%add3A, %dma_wait3A_35, %dma_wait3A_36] : memref<32x80x128xi32, #tpu.memory_space<hbm>> -> memref<1x80x128xi32, #tpu.memory_space<hbm>>
      %dma_wait3A_38 = tpu.memref_squeeze %dma_wait3A_37 : memref<1x80x128xi32, #tpu.memory_space<hbm>> -> memref<80x128xi32, #tpu.memory_space<hbm>>
      %dma_wait3A_39 = arith.constant 0 : i32
      %dma_wait3A_40 = arith.constant 0 : i32
      %dma_wait3A_41 = tpu.memref_slice %arg3[%add3A, %dma_wait3A_39, %dma_wait3A_40] : memref<32x80x128xi32, #tpu.memory_space<hbm>> -> memref<1x80x128xi32, #tpu.memory_space<hbm>>
      %dma_wait3A_42 = tpu.memref_squeeze %dma_wait3A_41 : memref<1x80x128xi32, #tpu.memory_space<hbm>> -> memref<80x128xi32, #tpu.memory_space<hbm>>
      tpu.wait_dma2 semaphore(%run_scoped3A : memref<!tpu.dma_semaphore, #tpu.memory_space<semaphore_mem>>) src(%dma_wait3A_42 : memref<80x128xi32, #tpu.memory_space<hbm>>) dst(%arg7 : memref<80x128xi32, #tpu.memory_space<vmem>>)
      tpu.yield
    }) : () -> ()
    "tpu.region"() ({
      %run_scoped3A = tpu.sem_alloc : memref<!tpu.dma_semaphore, #tpu.memory_space<semaphore_mem>>
      %dma_start3A_27 = arith.constant 0 : i32
      %dma_start3A_28 = arith.constant 0 : i32
      %dma_start3A_29 = tpu.memref_slice %arg4[%add3A, %dma_start3A_27, %dma_start3A_28] : memref<32x80x128xi32, #tpu.memory_space<hbm>> -> memref<1x80x128xi32, #tpu.memory_space<hbm>>
      %dma_start3A_30 = tpu.memref_squeeze %dma_start3A_29 : memref<1x80x128xi32, #tpu.memory_space<hbm>> -> memref<80x128xi32, #tpu.memory_space<hbm>>
      %dma_start3A_31 = arith.constant 0 : i32
      %dma_start3A_32 = arith.constant 0 : i32
      %dma_start3A_33 = tpu.memref_slice %arg4[%add3A, %dma_start3A_31, %dma_start3A_32] : memref<32x80x128xi32, #tpu.memory_space<hbm>> -> memref<1x80x128xi32, #tpu.memory_space<hbm>>
      %dma_start3A_34 = tpu.memref_squeeze %dma_start3A_33 : memref<1x80x128xi32, #tpu.memory_space<hbm>> -> memref<80x128xi32, #tpu.memory_space<hbm>>
      tpu.enqueue_dma source(%dma_start3A_34 : memref<80x128xi32, #tpu.memory_space<hbm>>) target(%arg8 : memref<80x128xi32, #tpu.memory_space<vmem>>) target_semaphore(%run_scoped3A : memref<!tpu.dma_semaphore, #tpu.memory_space<semaphore_mem>>)
      %dma_wait3A_35 = arith.constant 0 : i32
      %dma_wait3A_36 = arith.constant 0 : i32
      %dma_wait3A_37 = tpu.memref_slice %arg4[%add3A, %dma_wait3A_35, %dma_wait3A_36] : memref<32x80x128xi32, #tpu.memory_space<hbm>> -> memref<1x80x128xi32, #tpu.memory_space<hbm>>
      %dma_wait3A_38 = tpu.memref_squeeze %dma_wait3A_37 : memref<1x80x128xi32, #tpu.memory_space<hbm>> -> memref<80x128xi32, #tpu.memory_space<hbm>>
      %dma_wait3A_39 = arith.constant 0 : i32
      %dma_wait3A_40 = arith.constant 0 : i32
      %dma_wait3A_41 = tpu.memref_slice %arg4[%add3A, %dma_wait3A_39, %dma_wait3A_40] : memref<32x80x128xi32, #tpu.memory_space<hbm>> -> memref<1x80x128xi32, #tpu.memory_space<hbm>>
      %dma_wait3A_42 = tpu.memref_squeeze %dma_wait3A_41 : memref<1x80x128xi32, #tpu.memory_space<hbm>> -> memref<80x128xi32, #tpu.memory_space<hbm>>
      tpu.wait_dma2 semaphore(%run_scoped3A : memref<!tpu.dma_semaphore, #tpu.memory_space<semaphore_mem>>) src(%dma_wait3A_42 : memref<80x128xi32, #tpu.memory_space<hbm>>) dst(%arg8 : memref<80x128xi32, #tpu.memory_space<vmem>>)
      tpu.yield
    }) : () -> ()
    %barrier3A = arith.constant 0 : index
    tpu.barrier barrier_id(%barrier3A)
    %dma_start3A = arith.constant 0 : i32
    %dma_start3A_5 = arith.constant 0 : i32
    %dma_start3A_6 = tpu.memref_slice %arg7[%dma_start3A, %dma_start3A_5] : memref<80x128xi32, #tpu.memory_space<vmem>> -> memref<1x128xi32, #tpu.memory_space<vmem>>
    %dma_start3A_7 = tpu.memref_squeeze %dma_start3A_6 : memref<1x128xi32, #tpu.memory_space<vmem>> -> memref<128xi32, #tpu.memory_space<vmem>>
    %dma_start3A_8 = arith.constant 0 : i32
    %dma_start3A_9 = arith.constant 0 : i32
    %dma_start3A_10 = tpu.memref_slice %arg2[%dma_start3A_8, %dma_start3A_9] : memref<10240x32xf32, #tpu.memory_space<hbm>> -> memref<10240x32xf32, #tpu.memory_space<hbm>>
    tpu.enqueue_indirect_dma source(%dma_start3A_10 : memref<10240x32xf32, #tpu.memory_space<hbm>>) target(%arg9 : memref<128x32xf32, #tpu.memory_space<vmem>>) offsets(%dma_start3A_7 : memref<128xi32, #tpu.memory_space<vmem>>) semaphore(%arg12 : memref<!tpu.dma_semaphore, #tpu.memory_space<semaphore_mem>>)
    %scan3A = arith.constant 0 : i32
    %scan3A_11 = arith.constant 0 : i32
    %scan3A_12 = arith.constant 40 : i32
    %scan3A_13 = arith.addi %scan3A_11, %scan3A_12 : i32
    %scan3A_14 = arith.constant 1 : i32
    scf.for %scan3A_27 = %scan3A_11 to %scan3A_13 step %scan3A_14  : i32 {
      %mul3A_28 = arith.constant 2 : i32
      %mul3A_29 = arith.muli %mul3A_28, %scan3A_27 : i32
      %add3A_30 = arith.constant 1 : i32
      %add3A_31 = arith.addi %mul3A_29, %add3A_30 : i32
      %add3A_32 = arith.constant 2 : i32
      %add3A_33 = arith.addi %mul3A_29, %add3A_32 : i32
      %min3A = arith.constant 79 : i32
      %min3A_34 = arith.minsi %add3A_33, %min3A : i32
      %dma_wait3A_35 = arith.constant 0 : i32
      %dma_wait3A_36 = tpu.memref_slice %arg7[%mul3A_29, %dma_wait3A_35] : memref<80x128xi32, #tpu.memory_space<vmem>> -> memref<1x128xi32, #tpu.memory_space<vmem>>
      %dma_wait3A_37 = tpu.memref_squeeze %dma_wait3A_36 : memref<1x128xi32, #tpu.memory_space<vmem>> -> memref<128xi32, #tpu.memory_space<vmem>>
      %dma_wait3A_38 = arith.constant 0 : i32
      %dma_wait3A_39 = arith.constant 0 : i32
      %dma_wait3A_40 = tpu.memref_slice %arg2[%dma_wait3A_38, %dma_wait3A_39] : memref<10240x32xf32, #tpu.memory_space<hbm>> -> memref<10240x32xf32, #tpu.memory_space<hbm>>
      tpu.wait_indirect_dma semaphore(%arg12 : memref<!tpu.dma_semaphore, #tpu.memory_space<semaphore_mem>>) src(%dma_wait3A_40 : memref<10240x32xf32, #tpu.memory_space<hbm>>) dst(%arg9 : memref<128x32xf32, #tpu.memory_space<vmem>>)
      %dma_start3A_41 = arith.constant 0 : i32
      %dma_start3A_42 = tpu.memref_slice %arg7[%add3A_31, %dma_start3A_41] : memref<80x128xi32, #tpu.memory_space<vmem>> -> memref<1x128xi32, #tpu.memory_space<vmem>>
      %dma_start3A_43 = tpu.memref_squeeze %dma_start3A_42 : memref<1x128xi32, #tpu.memory_space<vmem>> -> memref<128xi32, #tpu.memory_space<vmem>>
      %dma_start3A_44 = arith.constant 0 : i32
      %dma_start3A_45 = arith.constant 0 : i32
      %dma_start3A_46 = tpu.memref_slice %arg2[%dma_start3A_44, %dma_start3A_45] : memref<10240x32xf32, #tpu.memory_space<hbm>> -> memref<10240x32xf32, #tpu.memory_space<hbm>>
      tpu.enqueue_indirect_dma source(%dma_start3A_46 : memref<10240x32xf32, #tpu.memory_space<hbm>>) target(%arg10 : memref<128x32xf32, #tpu.memory_space<vmem>>) offsets(%dma_start3A_43 : memref<128xi32, #tpu.memory_space<vmem>>) semaphore(%arg13 : memref<!tpu.dma_semaphore, #tpu.memory_space<semaphore_mem>>)
      "tpu.region"() ({
        %run_scoped3A = tpu.sem_alloc : memref<!tpu.dma_semaphore, #tpu.memory_space<semaphore_mem>>
        %dma_start3A_59 = arith.constant 0 : i32
        %dma_start3A_60 = tpu.memref_slice %arg8[%mul3A_29, %dma_start3A_59] : memref<80x128xi32, #tpu.memory_space<vmem>> -> memref<1x128xi32, #tpu.memory_space<vmem>>
        %dma_start3A_61 = tpu.memref_squeeze %dma_start3A_60 : memref<1x128xi32, #tpu.memory_space<vmem>> -> memref<128xi32, #tpu.memory_space<vmem>>
        %dma_start3A_62 = arith.constant 0 : i32
        %dma_start3A_63 = arith.constant 0 : i32
        %dma_start3A_64 = tpu.memref_slice %arg11[%dma_start3A_62, %dma_start3A_63] : memref<10240x32xf32, #tpu.memory_space<vmem_shared>> -> memref<10240x32xf32, #tpu.memory_space<vmem_shared>>
        tpu.enqueue_indirect_dma source(%arg9 : memref<128x32xf32, #tpu.memory_space<vmem>>) target(%dma_start3A_64 : memref<10240x32xf32, #tpu.memory_space<vmem_shared>>) offsets(%dma_start3A_61 : memref<128xi32, #tpu.memory_space<vmem>>) semaphore(%run_scoped3A : memref<!tpu.dma_semaphore, #tpu.memory_space<semaphore_mem>>) {add = true}
        %dma_wait3A_65 = arith.constant 0 : i32
        %dma_wait3A_66 = tpu.memref_slice %arg8[%mul3A_29, %dma_wait3A_65] : memref<80x128xi32, #tpu.memory_space<vmem>> -> memref<1x128xi32, #tpu.memory_space<vmem>>
        %dma_wait3A_67 = tpu.memref_squeeze %dma_wait3A_66 : memref<1x128xi32, #tpu.memory_space<vmem>> -> memref<128xi32, #tpu.memory_space<vmem>>
        %dma_wait3A_68 = arith.constant 0 : i32
        %dma_wait3A_69 = arith.constant 0 : i32
        %dma_wait3A_70 = tpu.memref_slice %arg11[%dma_wait3A_68, %dma_wait3A_69] : memref<10240x32xf32, #tpu.memory_space<vmem_shared>> -> memref<10240x32xf32, #tpu.memory_space<vmem_shared>>
        tpu.wait_indirect_dma semaphore(%run_scoped3A : memref<!tpu.dma_semaphore, #tpu.memory_space<semaphore_mem>>) src(%arg9 : memref<128x32xf32, #tpu.memory_space<vmem>>) dst(%dma_wait3A_70 : memref<10240x32xf32, #tpu.memory_space<vmem_shared>>)
        tpu.yield
      }) : () -> ()
      %dma_wait3A_47 = arith.constant 0 : i32
      %dma_wait3A_48 = tpu.memref_slice %arg7[%add3A_31, %dma_wait3A_47] : memref<80x128xi32, #tpu.memory_space<vmem>> -> memref<1x128xi32, #tpu.memory_space<vmem>>
      %dma_wait3A_49 = tpu.memref_squeeze %dma_wait3A_48 : memref<1x128xi32, #tpu.memory_space<vmem>> -> memref<128xi32, #tpu.memory_space<vmem>>
      %dma_wait3A_50 = arith.constant 0 : i32
      %dma_wait3A_51 = arith.constant 0 : i32
      %dma_wait3A_52 = tpu.memref_slice %arg2[%dma_wait3A_50, %dma_wait3A_51] : memref<10240x32xf32, #tpu.memory_space<hbm>> -> memref<10240x32xf32, #tpu.memory_space<hbm>>
      tpu.wait_indirect_dma semaphore(%arg13 : memref<!tpu.dma_semaphore, #tpu.memory_space<semaphore_mem>>) src(%dma_wait3A_52 : memref<10240x32xf32, #tpu.memory_space<hbm>>) dst(%arg10 : memref<128x32xf32, #tpu.memory_space<vmem>>)
      %dma_start3A_53 = arith.constant 0 : i32
      %dma_start3A_54 = tpu.memref_slice %arg7[%min3A_34, %dma_start3A_53] : memref<80x128xi32, #tpu.memory_space<vmem>> -> memref<1x128xi32, #tpu.memory_space<vmem>>
      %dma_start3A_55 = tpu.memref_squeeze %dma_start3A_54 : memref<1x128xi32, #tpu.memory_space<vmem>> -> memref<128xi32, #tpu.memory_space<vmem>>
      %dma_start3A_56 = arith.constant 0 : i32
      %dma_start3A_57 = arith.constant 0 : i32
      %dma_start3A_58 = tpu.memref_slice %arg2[%dma_start3A_56, %dma_start3A_57] : memref<10240x32xf32, #tpu.memory_space<hbm>> -> memref<10240x32xf32, #tpu.memory_space<hbm>>
      tpu.enqueue_indirect_dma source(%dma_start3A_58 : memref<10240x32xf32, #tpu.memory_space<hbm>>) target(%arg9 : memref<128x32xf32, #tpu.memory_space<vmem>>) offsets(%dma_start3A_55 : memref<128xi32, #tpu.memory_space<vmem>>) semaphore(%arg12 : memref<!tpu.dma_semaphore, #tpu.memory_space<semaphore_mem>>)
      "tpu.region"() ({
        %run_scoped3A = tpu.sem_alloc : memref<!tpu.dma_semaphore, #tpu.memory_space<semaphore_mem>>
        %dma_start3A_59 = arith.constant 0 : i32
        %dma_start3A_60 = tpu.memref_slice %arg8[%add3A_31, %dma_start3A_59] : memref<80x128xi32, #tpu.memory_space<vmem>> -> memref<1x128xi32, #tpu.memory_space<vmem>>
        %dma_start3A_61 = tpu.memref_squeeze %dma_start3A_60 : memref<1x128xi32, #tpu.memory_space<vmem>> -> memref<128xi32, #tpu.memory_space<vmem>>
        %dma_start3A_62 = arith.constant 0 : i32
        %dma_start3A_63 = arith.constant 0 : i32
        %dma_start3A_64 = tpu.memref_slice %arg11[%dma_start3A_62, %dma_start3A_63] : memref<10240x32xf32, #tpu.memory_space<vmem_shared>> -> memref<10240x32xf32, #tpu.memory_space<vmem_shared>>
        tpu.enqueue_indirect_dma source(%arg10 : memref<128x32xf32, #tpu.memory_space<vmem>>) target(%dma_start3A_64 : memref<10240x32xf32, #tpu.memory_space<vmem_shared>>) offsets(%dma_start3A_61 : memref<128xi32, #tpu.memory_space<vmem>>) semaphore(%run_scoped3A : memref<!tpu.dma_semaphore, #tpu.memory_space<semaphore_mem>>) {add = true}
        %dma_wait3A_65 = arith.constant 0 : i32
        %dma_wait3A_66 = tpu.memref_slice %arg8[%add3A_31, %dma_wait3A_65] : memref<80x128xi32, #tpu.memory_space<vmem>> -> memref<1x128xi32, #tpu.memory_space<vmem>>
        %dma_wait3A_67 = tpu.memref_squeeze %dma_wait3A_66 : memref<1x128xi32, #tpu.memory_space<vmem>> -> memref<128xi32, #tpu.memory_space<vmem>>
        %dma_wait3A_68 = arith.constant 0 : i32
        %dma_wait3A_69 = arith.constant 0 : i32
        %dma_wait3A_70 = tpu.memref_slice %arg11[%dma_wait3A_68, %dma_wait3A_69] : memref<10240x32xf32, #tpu.memory_space<vmem_shared>> -> memref<10240x32xf32, #tpu.memory_space<vmem_shared>>
        tpu.wait_indirect_dma semaphore(%run_scoped3A : memref<!tpu.dma_semaphore, #tpu.memory_space<semaphore_mem>>) src(%arg10 : memref<128x32xf32, #tpu.memory_space<vmem>>) dst(%dma_wait3A_70 : memref<10240x32xf32, #tpu.memory_space<vmem_shared>>)
        tpu.yield
      }) : () -> ()
    }
    %scan3A_15 = arith.constant 40 : i32
    %dma_wait3A = arith.constant 0 : i32
    %dma_wait3A_16 = arith.constant 0 : i32
    %dma_wait3A_17 = tpu.memref_slice %arg7[%dma_wait3A, %dma_wait3A_16] : memref<80x128xi32, #tpu.memory_space<vmem>> -> memref<1x128xi32, #tpu.memory_space<vmem>>
    %dma_wait3A_18 = tpu.memref_squeeze %dma_wait3A_17 : memref<1x128xi32, #tpu.memory_space<vmem>> -> memref<128xi32, #tpu.memory_space<vmem>>
    %dma_wait3A_19 = arith.constant 0 : i32
    %dma_wait3A_20 = arith.constant 0 : i32
    %dma_wait3A_21 = tpu.memref_slice %arg2[%dma_wait3A_19, %dma_wait3A_20] : memref<10240x32xf32, #tpu.memory_space<hbm>> -> memref<10240x32xf32, #tpu.memory_space<hbm>>
    tpu.wait_indirect_dma semaphore(%arg12 : memref<!tpu.dma_semaphore, #tpu.memory_space<semaphore_mem>>) src(%dma_wait3A_21 : memref<10240x32xf32, #tpu.memory_space<hbm>>) dst(%arg9 : memref<128x32xf32, #tpu.memory_space<vmem>>)
    %barrier3A_22 = arith.constant 0 : index
    tpu.barrier barrier_id(%barrier3A_22)
    %mul3A_23 = arith.constant 640 : i32
    %mul3A_24 = arith.muli %arg1, %mul3A_23 : i32
    %mul3A_25 = arith.constant 640 : i32
    %mul3A_26 = arith.muli %arg1, %mul3A_25 : i32
    "tpu.region"() ({
      %run_scoped3A = tpu.sem_alloc : memref<!tpu.dma_semaphore, #tpu.memory_space<semaphore_mem>>
      %dma_start3A_27 = arith.constant 0 : i32
      %dma_start3A_28 = tpu.memref_slice %arg6[%arg0, %mul3A_26, %dma_start3A_27] : memref<2x10240x32xf32, #tpu.memory_space<hbm>> -> memref<1x640x32xf32, #tpu.memory_space<hbm>>
      %dma_start3A_29 = tpu.memref_squeeze %dma_start3A_28 : memref<1x640x32xf32, #tpu.memory_space<hbm>> -> memref<640x32xf32, #tpu.memory_space<hbm>>
      %dma_start3A_30 = arith.constant 0 : i32
      %dma_start3A_31 = tpu.memref_slice %arg11[%mul3A_24, %dma_start3A_30] : memref<10240x32xf32, #tpu.memory_space<vmem_shared>> -> memref<640x32xf32, #tpu.memory_space<vmem_shared>>
      tpu.enqueue_dma source(%dma_start3A_31 : memref<640x32xf32, #tpu.memory_space<vmem_shared>>) target(%dma_start3A_29 : memref<640x32xf32, #tpu.memory_space<hbm>>) target_semaphore(%run_scoped3A : memref<!tpu.dma_semaphore, #tpu.memory_space<semaphore_mem>>)
      %dma_wait3A_32 = arith.constant 0 : i32
      %dma_wait3A_33 = tpu.memref_slice %arg6[%arg0, %mul3A_26, %dma_wait3A_32] : memref<2x10240x32xf32, #tpu.memory_space<hbm>> -> memref<1x640x32xf32, #tpu.memory_space<hbm>>
      %dma_wait3A_34 = tpu.memref_squeeze %dma_wait3A_33 : memref<1x640x32xf32, #tpu.memory_space<hbm>> -> memref<640x32xf32, #tpu.memory_space<hbm>>
      %dma_wait3A_35 = arith.constant 0 : i32
      %dma_wait3A_36 = tpu.memref_slice %arg11[%mul3A_24, %dma_wait3A_35] : memref<10240x32xf32, #tpu.memory_space<vmem_shared>> -> memref<640x32xf32, #tpu.memory_space<vmem_shared>>
      tpu.wait_dma2 semaphore(%run_scoped3A : memref<!tpu.dma_semaphore, #tpu.memory_space<semaphore_mem>>) src(%dma_wait3A_36 : memref<640x32xf32, #tpu.memory_space<vmem_shared>>) dst(%dma_wait3A_34 : memref<640x32xf32, #tpu.memory_space<hbm>>)
      tpu.yield
    }) : () -> ()
    return
  }
}

module attributes {stable_mosaic.version = 14 : i64} {
  func.func @_tc1_body(%arg0: i32, %arg1: memref<512x128xf32, #tpu.memory_space<vmem>>, %arg2: memref<128x32xf32, #tpu.memory_space<vmem>>, %arg3: memref<1x32xf32, #tpu.memory_space<vmem>>, %arg4: memref<512x32xf32, #tpu.memory_space<vmem>>, %arg5: memref<512x64xf32, #tpu.memory_space<vmem>>) attributes {dimension_semantics = [#tpu.dimension_semantics<arbitrary>], iteration_bounds = array<i64: 20>, scalar_prefetch = 0 : i64, scratch_operands = 0 : i64, tpu.core_type = #tpu.core_type<tc>, window_params = [{transform_indices = @transform_0, window_bounds = array<i64: 512, 128>}, {pipeline_mode = #tpu.pipeline_mode<synchronous>, transform_indices = @transform_1, window_bounds = array<i64: 128, 32>}, {pipeline_mode = #tpu.pipeline_mode<synchronous>, transform_indices = @transform_2, window_bounds = array<i64: 1, 32>}, {transform_indices = @transform_3, window_bounds = array<i64: 512, 32>}, {transform_indices = @transform_4, window_bounds = array<i64: 512, 64>}]} {
    %get3A = arith.constant 0 : index
    %get3A_0 = arith.constant 0 : index
    %get3A_1 = vector.load %arg1[%get3A, %get3A_0] : memref<512x128xf32, #tpu.memory_space<vmem>>, vector<512x128xf32>
    %get3A_2 = arith.constant 0 : index
    %get3A_3 = arith.constant 0 : index
    %get3A_4 = vector.load %arg2[%get3A_2, %get3A_3] : memref<128x32xf32, #tpu.memory_space<vmem>>, vector<128x32xf32>
    %dot_general3A = arith.constant dense<0.000000e+00> : vector<512x32xf32>
    %dot_general3A_5 = tpu.matmul %get3A_1, %get3A_4, %dot_general3A {dimension_numbers = #tpu.dot_dimension_numbers<[1], [0], [0], [1], [0, 0, 1, 1], [], []>, transpose_lhs_hint = false} : vector<512x128xf32>, vector<128x32xf32>, vector<512x32xf32> -> vector<512x32xf32>
    %get3A_6 = arith.constant 0 : index
    %get3A_7 = arith.constant 0 : index
    %get3A_8 = vector.load %arg3[%get3A_6, %get3A_7] : memref<1x32xf32, #tpu.memory_space<vmem>>, vector<1x32xf32>
    %add3A = vector.broadcast %get3A_8 : vector<1x32xf32> to vector<512x32xf32>
    %add3A_9 = arith.addf %dot_general3A_5, %add3A : vector<512x32xf32>
    %swap3A = arith.constant 0 : index
    %swap3A_10 = arith.constant 0 : index
    %swap3A_11 = vector.load %arg4[%swap3A, %swap3A_10] : memref<512x32xf32, #tpu.memory_space<vmem>>, vector<512x32xf32>
    tpu.vector_store %arg4[%swap3A, %swap3A_10], %add3A_9 {strides = array<i32>} : memref<512x32xf32, #tpu.memory_space<vmem>>, vector<512x32xf32>,
    %mul3A = arith.mulf %add3A_9, %add3A_9 : vector<512x32xf32>
    %concatenate3A = tpu.concatenate %add3A_9, %mul3A in 1 : vector<512x32xf32>, vector<512x32xf32> -> vector<512x64xf32>
    %swap3A_12 = arith.constant 0 : index
    %swap3A_13 = arith.constant 0 : index
    %swap3A_14 = vector.load %arg5[%swap3A_12, %swap3A_13] : memref<512x64xf32, #tpu.memory_space<vmem>>, vector<512x64xf32>
    tpu.vector_store %arg5[%swap3A_12, %swap3A_13], %concatenate3A {strides = array<i32>} : memref<512x64xf32, #tpu.memory_space<vmem>>, vector<512x64xf32>,
    return
  }
  func.func @transform_0(%arg0: i32) -> (i32, i32) {
    %c0_i32 = arith.constant 0 : i32
    %c0_i32_0 = arith.constant 0 : i32
    return %arg0, %c0_i32 : i32, i32
  }
  func.func @transform_1(%arg0: i32) -> (i32, i32) {
    %c0_i32 = arith.constant 0 : i32
    %c0_i32_0 = arith.constant 0 : i32
    %c0_i32_1 = arith.constant 0 : i32
    return %c0_i32, %c0_i32_0 : i32, i32
  }
  func.func @transform_2(%arg0: i32) -> (i32, i32) {
    %c0_i32 = arith.constant 0 : i32
    %c0_i32_0 = arith.constant 0 : i32
    %c0_i32_1 = arith.constant 0 : i32
    return %c0_i32, %c0_i32_0 : i32, i32
  }
  func.func @transform_3(%arg0: i32) -> (i32, i32) {
    %c0_i32 = arith.constant 0 : i32
    %c0_i32_0 = arith.constant 0 : i32
    return %arg0, %c0_i32 : i32, i32
  }
  func.func @transform_4(%arg0: i32) -> (i32, i32) {
    %c0_i32 = arith.constant 0 : i32
    %c0_i32_0 = arith.constant 0 : i32
    return %arg0, %c0_i32 : i32, i32
  }
}

module attributes {stable_mosaic.version = 14 : i64} {
  func.func @_tc2_body(%arg0: i32, %arg1: memref<512x32xf32, #tpu.memory_space<vmem>>, %arg2: memref<2x512x64xf32, #tpu.memory_space<vmem>>, %arg3: memref<2x512x8xf32, #tpu.memory_space<vmem>>, %arg4: memref<32x32xf32, #tpu.memory_space<vmem>>, %arg5: memref<1x32xf32, #tpu.memory_space<vmem>>, %arg6: memref<32x32xf32, #tpu.memory_space<vmem>>, %arg7: memref<1x32xf32, #tpu.memory_space<vmem>>, %arg8: memref<512x32xf32, #tpu.memory_space<vmem>>, %arg9: memref<512x64xf32, #tpu.memory_space<vmem>>, %arg10: memref<512x8xf32, #tpu.memory_space<vmem>>) attributes {dimension_semantics = [#tpu.dimension_semantics<arbitrary>], iteration_bounds = array<i64: 20>, scalar_prefetch = 0 : i64, scratch_operands = 0 : i64, tpu.core_type = #tpu.core_type<tc>, window_params = [{transform_indices = @transform_0, window_bounds = array<i64: 512, 32>}, {transform_indices = @transform_1, window_bounds = array<i64: 2, 512, 64>}, {transform_indices = @transform_2, window_bounds = array<i64: 2, 512, 8>}, {pipeline_mode = #tpu.pipeline_mode<synchronous>, transform_indices = @transform_3, window_bounds = array<i64: 32, 32>}, {pipeline_mode = #tpu.pipeline_mode<synchronous>, transform_indices = @transform_4, window_bounds = array<i64: 1, 32>}, {pipeline_mode = #tpu.pipeline_mode<synchronous>, transform_indices = @transform_5, window_bounds = array<i64: 32, 32>}, {pipeline_mode = #tpu.pipeline_mode<synchronous>, transform_indices = @transform_6, window_bounds = array<i64: 1, 32>}, {transform_indices = @transform_7, window_bounds = array<i64: 512, 32>}, {transform_indices = @transform_8, window_bounds = array<i64: 512, 64>}, {transform_indices = @transform_9, window_bounds = array<i64: 512, 8>}]} {
    %get3A = arith.constant 0 : index
    %get3A_0 = arith.constant 0 : index
    %get3A_1 = arith.constant 0 : index
    %get3A_2 = vector.load %arg2[%get3A, %get3A_0, %get3A_1] : memref<2x512x64xf32, #tpu.memory_space<vmem>>, vector<1x512x64xf32>
    %get3A_3 = vector.shape_cast %get3A_2 : vector<1x512x64xf32> to vector<512x64xf32>
    %get3A_4 = arith.constant 1 : index
    %get3A_5 = arith.constant 0 : index
    %get3A_6 = arith.constant 0 : index
    %get3A_7 = vector.load %arg2[%get3A_4, %get3A_5, %get3A_6] : memref<2x512x64xf32, #tpu.memory_space<vmem>>, vector<1x512x64xf32>
    %get3A_8 = vector.shape_cast %get3A_7 : vector<1x512x64xf32> to vector<512x64xf32>
    %add3A = arith.addf %get3A_3, %get3A_8 : vector<512x64xf32>
    %swap3A = arith.constant 0 : index
    %swap3A_9 = arith.constant 0 : index
    %swap3A_10 = vector.load %arg9[%swap3A, %swap3A_9] : memref<512x64xf32, #tpu.memory_space<vmem>>, vector<512x64xf32>
    tpu.vector_store %arg9[%swap3A, %swap3A_9], %add3A {strides = array<i32>} : memref<512x64xf32, #tpu.memory_space<vmem>>, vector<512x64xf32>,
    %get3A_11 = arith.constant 0 : index
    %get3A_12 = arith.constant 0 : index
    %get3A_13 = arith.constant 0 : index
    %get3A_14 = vector.load %arg3[%get3A_11, %get3A_12, %get3A_13] : memref<2x512x8xf32, #tpu.memory_space<vmem>>, vector<1x512x8xf32>
    %get3A_15 = vector.shape_cast %get3A_14 : vector<1x512x8xf32> to vector<512x8xf32>
    %get3A_16 = arith.constant 1 : index
    %get3A_17 = arith.constant 0 : index
    %get3A_18 = arith.constant 0 : index
    %get3A_19 = vector.load %arg3[%get3A_16, %get3A_17, %get3A_18] : memref<2x512x8xf32, #tpu.memory_space<vmem>>, vector<1x512x8xf32>
    %get3A_20 = vector.shape_cast %get3A_19 : vector<1x512x8xf32> to vector<512x8xf32>
    %add3A_21 = arith.addf %get3A_15, %get3A_20 : vector<512x8xf32>
    %swap3A_22 = arith.constant 0 : index
    %swap3A_23 = arith.constant 0 : index
    %swap3A_24 = vector.load %arg10[%swap3A_22, %swap3A_23] : memref<512x8xf32, #tpu.memory_space<vmem>>, vector<512x8xf32>
    tpu.vector_store %arg10[%swap3A_22, %swap3A_23], %add3A_21 {strides = array<i32>} : memref<512x8xf32, #tpu.memory_space<vmem>>, vector<512x8xf32>,
    %get3A_25 = arith.constant 0 : index
    %get3A_26 = arith.constant 0 : index
    %get3A_27 = vector.load %arg1[%get3A_25, %get3A_26] : memref<512x32xf32, #tpu.memory_space<vmem>>, vector<512x32xf32>
    %slice3A = vector.extract_strided_slice %add3A {offsets = [0, 0], sizes = [512, 32], strides = [1, 1]} : vector<512x64xf32> to vector<512x32xf32>
    %add3A_28 = arith.addf %get3A_27, %slice3A : vector<512x32xf32>
    %get3A_29 = arith.constant 0 : index
    %get3A_30 = arith.constant 0 : index
    %get3A_31 = vector.load %arg4[%get3A_29, %get3A_30] : memref<32x32xf32, #tpu.memory_space<vmem>>, vector<32x32xf32>
    %dot_general3A = arith.constant dense<0.000000e+00> : vector<512x32xf32>
    %dot_general3A_32 = tpu.matmul %add3A_28, %get3A_31, %dot_general3A {dimension_numbers = #tpu.dot_dimension_numbers<[1], [0], [0], [1], [0, 0, 1, 1], [], []>, transpose_lhs_hint = false} : vector<512x32xf32>, vector<32x32xf32>, vector<512x32xf32> -> vector<512x32xf32>
    %get3A_33 = arith.constant 0 : index
    %get3A_34 = arith.constant 0 : index
    %get3A_35 = vector.load %arg5[%get3A_33, %get3A_34] : memref<1x32xf32, #tpu.memory_space<vmem>>, vector<1x32xf32>
    %add3A_36 = vector.broadcast %get3A_35 : vector<1x32xf32> to vector<512x32xf32>
    %add3A_37 = arith.addf %dot_general3A_32, %add3A_36 : vector<512x32xf32>
    %max3A = arith.constant 0.000000e+00 : f32
    %max3A_38 = vector.broadcast %max3A : f32 to vector<512x32xf32>
    %max3A_39 = arith.maximumf %add3A_37, %max3A_38 : vector<512x32xf32>
    %get3A_40 = arith.constant 0 : index
    %get3A_41 = arith.constant 0 : index
    %get3A_42 = vector.load %arg6[%get3A_40, %get3A_41] : memref<32x32xf32, #tpu.memory_space<vmem>>, vector<32x32xf32>
    %dot_general3A_43 = arith.constant dense<0.000000e+00> : vector<512x32xf32>
    %dot_general3A_44 = tpu.matmul %max3A_39, %get3A_42, %dot_general3A_43 {dimension_numbers = #tpu.dot_dimension_numbers<[1], [0], [0], [1], [0, 0, 1, 1], [], []>, transpose_lhs_hint = false} : vector<512x32xf32>, vector<32x32xf32>, vector<512x32xf32> -> vector<512x32xf32>
    %get3A_45 = arith.constant 0 : index
    %get3A_46 = arith.constant 0 : index
    %get3A_47 = vector.load %arg7[%get3A_45, %get3A_46] : memref<1x32xf32, #tpu.memory_space<vmem>>, vector<1x32xf32>
    %add3A_48 = vector.broadcast %get3A_47 : vector<1x32xf32> to vector<512x32xf32>
    %add3A_49 = arith.addf %dot_general3A_44, %add3A_48 : vector<512x32xf32>
    %max3A_50 = arith.constant 0.000000e+00 : f32
    %max3A_51 = vector.broadcast %max3A_50 : f32 to vector<512x32xf32>
    %max3A_52 = arith.maximumf %add3A_49, %max3A_51 : vector<512x32xf32>
    %swap3A_53 = arith.constant 0 : index
    %swap3A_54 = arith.constant 0 : index
    %swap3A_55 = vector.load %arg8[%swap3A_53, %swap3A_54] : memref<512x32xf32, #tpu.memory_space<vmem>>, vector<512x32xf32>
    tpu.vector_store %arg8[%swap3A_53, %swap3A_54], %max3A_52 {strides = array<i32>} : memref<512x32xf32, #tpu.memory_space<vmem>>, vector<512x32xf32>,
    return
  }
  func.func @transform_0(%arg0: i32) -> (i32, i32) {
    %c0_i32 = arith.constant 0 : i32
    %c0_i32_0 = arith.constant 0 : i32
    return %arg0, %c0_i32 : i32, i32
  }
  func.func @transform_1(%arg0: i32) -> (i32, i32, i32) {
    %c0_i32 = arith.constant 0 : i32
    %c0_i32_0 = arith.constant 0 : i32
    %c0_i32_1 = arith.constant 0 : i32
    return %c0_i32, %arg0, %c0_i32_0 : i32, i32, i32
  }
  func.func @transform_2(%arg0: i32) -> (i32, i32, i32) {
    %c0_i32 = arith.constant 0 : i32
    %c0_i32_0 = arith.constant 0 : i32
    %c0_i32_1 = arith.constant 0 : i32
    return %c0_i32, %arg0, %c0_i32_0 : i32, i32, i32
  }
  func.func @transform_3(%arg0: i32) -> (i32, i32) {
    %c0_i32 = arith.constant 0 : i32
    %c0_i32_0 = arith.constant 0 : i32
    %c0_i32_1 = arith.constant 0 : i32
    return %c0_i32, %c0_i32_0 : i32, i32
  }
  func.func @transform_4(%arg0: i32) -> (i32, i32) {
    %c0_i32 = arith.constant 0 : i32
    %c0_i32_0 = arith.constant 0 : i32
    %c0_i32_1 = arith.constant 0 : i32
    return %c0_i32, %c0_i32_0 : i32, i32
  }
  func.func @transform_5(%arg0: i32) -> (i32, i32) {
    %c0_i32 = arith.constant 0 : i32
    %c0_i32_0 = arith.constant 0 : i32
    %c0_i32_1 = arith.constant 0 : i32
    return %c0_i32, %c0_i32_0 : i32, i32
  }
  func.func @transform_6(%arg0: i32) -> (i32, i32) {
    %c0_i32 = arith.constant 0 : i32
    %c0_i32_0 = arith.constant 0 : i32
    %c0_i32_1 = arith.constant 0 : i32
    return %c0_i32, %c0_i32_0 : i32, i32
  }
  func.func @transform_7(%arg0: i32) -> (i32, i32) {
    %c0_i32 = arith.constant 0 : i32
    %c0_i32_0 = arith.constant 0 : i32
    return %arg0, %c0_i32 : i32, i32
  }
  func.func @transform_8(%arg0: i32) -> (i32, i32) {
    %c0_i32 = arith.constant 0 : i32
    %c0_i32_0 = arith.constant 0 : i32
    return %arg0, %c0_i32 : i32, i32
  }
  func.func @transform_9(%arg0: i32) -> (i32, i32) {
    %c0_i32 = arith.constant 0 : i32
    %c0_i32_0 = arith.constant 0 : i32
    return %arg0, %c0_i32 : i32, i32
  }
}

module attributes {stable_mosaic.version = 14 : i64} {
  func.func @_tc3_body(%arg0: i32, %arg1: memref<512x32xf32, #tpu.memory_space<vmem>>, %arg2: memref<512x32xf32, #tpu.memory_space<vmem>>, %arg3: memref<512x64xf32, #tpu.memory_space<vmem>>, %arg4: memref<512x8xf32, #tpu.memory_space<vmem>>, %arg5: memref<2x512x32xf32, #tpu.memory_space<vmem>>, %arg6: memref<2x512x32xf32, #tpu.memory_space<vmem>>, %arg7: memref<32x32xf32, #tpu.memory_space<vmem>>, %arg8: memref<1x32xf32, #tpu.memory_space<vmem>>, %arg9: memref<32x32xf32, #tpu.memory_space<vmem>>, %arg10: memref<1x32xf32, #tpu.memory_space<vmem>>, %arg11: memref<32x32xf32, #tpu.memory_space<vmem>>, %arg12: memref<1x32xf32, #tpu.memory_space<vmem>>, %arg13: memref<32x32xf32, #tpu.memory_space<vmem>>, %arg14: memref<1x32xf32, #tpu.memory_space<vmem>>, %arg15: memref<32x32xf32, #tpu.memory_space<vmem>>, %arg16: memref<1x32xf32, #tpu.memory_space<vmem>>, %arg17: memref<32x1xf32, #tpu.memory_space<vmem>>, %arg18: memref<1x1xf32, #tpu.memory_space<vmem>>, %arg19: memref<32x32xf32, #tpu.memory_space<vmem>>, %arg20: memref<1x32xf32, #tpu.memory_space<vmem>>, %arg21: memref<32x32xf32, #tpu.memory_space<vmem>>, %arg22: memref<1x32xf32, #tpu.memory_space<vmem>>, %arg23: memref<32x32xf32, #tpu.memory_space<vmem>>, %arg24: memref<1x32xf32, #tpu.memory_space<vmem>>, %arg25: memref<32x32xf32, #tpu.memory_space<vmem>>, %arg26: memref<1x32xf32, #tpu.memory_space<vmem>>, %arg27: memref<32x32xf32, #tpu.memory_space<vmem>>, %arg28: memref<1x32xf32, #tpu.memory_space<vmem>>, %arg29: memref<32x128xf32, #tpu.memory_space<vmem>>, %arg30: memref<1x128xf32, #tpu.memory_space<vmem>>, %arg31: memref<32x32xf32, #tpu.memory_space<vmem>>, %arg32: memref<1x32xf32, #tpu.memory_space<vmem>>, %arg33: memref<32x32xf32, #tpu.memory_space<vmem>>, %arg34: memref<1x32xf32, #tpu.memory_space<vmem>>, %arg35: memref<32x32xf32, #tpu.memory_space<vmem>>, %arg36: memref<1x32xf32, #tpu.memory_space<vmem>>, %arg37: memref<32x32xf32, #tpu.memory_space<vmem>>, %arg38: memref<1x32xf32, #tpu.memory_space<vmem>>, %arg39: memref<32x32xf32, #tpu.memory_space<vmem>>, %arg40: memref<1x32xf32, #tpu.memory_space<vmem>>, %arg41: memref<32x32xf32, #tpu.memory_space<vmem>>, %arg42: memref<1x32xf32, #tpu.memory_space<vmem>>, %arg43: memref<32x32xf32, #tpu.memory_space<vmem>>, %arg44: memref<1x32xf32, #tpu.memory_space<vmem>>, %arg45: memref<32x32xf32, #tpu.memory_space<vmem>>, %arg46: memref<1x32xf32, #tpu.memory_space<vmem>>, %arg47: memref<32x32xf32, #tpu.memory_space<vmem>>, %arg48: memref<1x32xf32, #tpu.memory_space<vmem>>, %arg49: memref<32x32xf32, #tpu.memory_space<vmem>>, %arg50: memref<1x32xf32, #tpu.memory_space<vmem>>, %arg51: memref<512x32xf32, #tpu.memory_space<vmem>>, %arg52: memref<512x8xf32, #tpu.memory_space<vmem>>, %arg53: memref<512x128xf32, #tpu.memory_space<vmem>>) attributes {dimension_semantics = [#tpu.dimension_semantics<arbitrary>], iteration_bounds = array<i64: 20>, scalar_prefetch = 0 : i64, scratch_operands = 0 : i64, tpu.core_type = #tpu.core_type<tc>, window_params = [{transform_indices = @transform_0, window_bounds = array<i64: 512, 32>}, {transform_indices = @transform_1, window_bounds = array<i64: 512, 32>}, {transform_indices = @transform_2, window_bounds = array<i64: 512, 64>}, {transform_indices = @transform_3, window_bounds = array<i64: 512, 8>}, {transform_indices = @transform_4, window_bounds = array<i64: 2, 512, 32>}, {transform_indices = @transform_5, window_bounds = array<i64: 2, 512, 32>}, {pipeline_mode = #tpu.pipeline_mode<synchronous>, transform_indices = @transform_6, window_bounds = array<i64: 32, 32>}, {pipeline_mode = #tpu.pipeline_mode<synchronous>, transform_indices = @transform_7, window_bounds = array<i64: 1, 32>}, {pipeline_mode = #tpu.pipeline_mode<synchronous>, transform_indices = @transform_8, window_bounds = array<i64: 32, 32>}, {pipeline_mode = #tpu.pipeline_mode<synchronous>, transform_indices = @transform_9, window_bounds = array<i64: 1, 32>}, {pipeline_mode = #tpu.pipeline_mode<synchronous>, transform_indices = @transform_10, window_bounds = array<i64: 32, 32>}, {pipeline_mode = #tpu.pipeline_mode<synchronous>, transform_indices = @transform_11, window_bounds = array<i64: 1, 32>}, {pipeline_mode = #tpu.pipeline_mode<synchronous>, transform_indices = @transform_12, window_bounds = array<i64: 32, 32>}, {pipeline_mode = #tpu.pipeline_mode<synchronous>, transform_indices = @transform_13, window_bounds = array<i64: 1, 32>}, {pipeline_mode = #tpu.pipeline_mode<synchronous>, transform_indices = @transform_14, window_bounds = array<i64: 32, 32>}, {pipeline_mode = #tpu.pipeline_mode<synchronous>, transform_indices = @transform_15, window_bounds = array<i64: 1, 32>}, {pipeline_mode = #tpu.pipeline_mode<synchronous>, transform_indices = @transform_16, window_bounds = array<i64: 32, 1>}, {pipeline_mode = #tpu.pipeline_mode<synchronous>, transform_indices = @transform_17, window_bounds = array<i64: 1, 1>}, {pipeline_mode = #tpu.pipeline_mode<synchronous>, transform_indices = @transform_18, window_bounds = array<i64: 32, 32>}, {pipeline_mode = #tpu.pipeline_mode<synchronous>, transform_indices = @transform_19, window_bounds = array<i64: 1, 32>}, {pipeline_mode = #tpu.pipeline_mode<synchronous>, transform_indices = @transform_20, window_bounds = array<i64: 32, 32>}, {pipeline_mode = #tpu.pipeline_mode<synchronous>, transform_indices = @transform_21, window_bounds = array<i64: 1, 32>}, {pipeline_mode = #tpu.pipeline_mode<synchronous>, transform_indices = @transform_22, window_bounds = array<i64: 32, 32>}, {pipeline_mode = #tpu.pipeline_mode<synchronous>, transform_indices = @transform_23, window_bounds = array<i64: 1, 32>}, {pipeline_mode = #tpu.pipeline_mode<synchronous>, transform_indices = @transform_24, window_bounds = array<i64: 32, 32>}, {pipeline_mode = #tpu.pipeline_mode<synchronous>, transform_indices = @transform_25, window_bounds = array<i64: 1, 32>}, {pipeline_mode = #tpu.pipeline_mode<synchronous>, transform_indices = @transform_26, window_bounds = array<i64: 32, 32>}, {pipeline_mode = #tpu.pipeline_mode<synchronous>, transform_indices = @transform_27, window_bounds = array<i64: 1, 32>}, {pipeline_mode = #tpu.pipeline_mode<synchronous>, transform_indices = @transform_28, window_bounds = array<i64: 32, 128>}, {pipeline_mode = #tpu.pipeline_mode<synchronous>, transform_indices = @transform_29, window_bounds = array<i64: 1, 128>}, {pipeline_mode = #tpu.pipeline_mode<synchronous>, transform_indices = @transform_30, window_bounds = array<i64: 32, 32>}, {pipeline_mode = #tpu.pipeline_mode<synchronous>, transform_indices = @transform_31, window_bounds = array<i64: 1, 32>}, {pipeline_mode = #tpu.pipeline_mode<synchronous>, transform_indices = @transform_32, window_bounds = array<i64: 32, 32>}, {pipeline_mode = #tpu.pipeline_mode<synchronous>, transform_indices = @transform_33, window_bounds = array<i64: 1, 32>}, {pipeline_mode = #tpu.pipeline_mode<synchronous>, transform_indices = @transform_34, window_bounds = array<i64: 32, 32>}, {pipeline_mode = #tpu.pipeline_mode<synchronous>, transform_indices = @transform_35, window_bounds = array<i64: 1, 32>}, {pipeline_mode = #tpu.pipeline_mode<synchronous>, transform_indices = @transform_36, window_bounds = array<i64: 32, 32>}, {pipeline_mode = #tpu.pipeline_mode<synchronous>, transform_indices = @transform_37, window_bounds = array<i64: 1, 32>}, {pipeline_mode = #tpu.pipeline_mode<synchronous>, transform_indices = @transform_38, window_bounds = array<i64: 32, 32>}, {pipeline_mode = #tpu.pipeline_mode<synchronous>, transform_indices = @transform_39, window_bounds = array<i64: 1, 32>}, {pipeline_mode = #tpu.pipeline_mode<synchronous>, transform_indices = @transform_40, window_bounds = array<i64: 32, 32>}, {pipeline_mode = #tpu.pipeline_mode<synchronous>, transform_indices = @transform_41, window_bounds = array<i64: 1, 32>}, {pipeline_mode = #tpu.pipeline_mode<synchronous>, transform_indices = @transform_42, window_bounds = array<i64: 32, 32>}, {pipeline_mode = #tpu.pipeline_mode<synchronous>, transform_indices = @transform_43, window_bounds = array<i64: 1, 32>}, {pipeline_mode = #tpu.pipeline_mode<synchronous>, transform_indices = @transform_44, window_bounds = array<i64: 32, 32>}, {pipeline_mode = #tpu.pipeline_mode<synchronous>, transform_indices = @transform_45, window_bounds = array<i64: 1, 32>}, {pipeline_mode = #tpu.pipeline_mode<synchronous>, transform_indices = @transform_46, window_bounds = array<i64: 32, 32>}, {pipeline_mode = #tpu.pipeline_mode<synchronous>, transform_indices = @transform_47, window_bounds = array<i64: 1, 32>}, {pipeline_mode = #tpu.pipeline_mode<synchronous>, transform_indices = @transform_48, window_bounds = array<i64: 32, 32>}, {pipeline_mode = #tpu.pipeline_mode<synchronous>, transform_indices = @transform_49, window_bounds = array<i64: 1, 32>}, {transform_indices = @transform_50, window_bounds = array<i64: 512, 32>}, {transform_indices = @transform_51, window_bounds = array<i64: 512, 8>}, {transform_indices = @transform_52, window_bounds = array<i64: 512, 128>}]} {
    %get3A = arith.constant 0 : index
    %get3A_0 = arith.constant 0 : index
    %get3A_1 = vector.load %arg1[%get3A, %get3A_0] : memref<512x32xf32, #tpu.memory_space<vmem>>, vector<512x32xf32>
    %get3A_2 = arith.constant 0 : index
    %get3A_3 = arith.constant 0 : index
    %get3A_4 = vector.load %arg2[%get3A_2, %get3A_3] : memref<512x32xf32, #tpu.memory_space<vmem>>, vector<512x32xf32>
    %get3A_5 = arith.constant 0 : index
    %get3A_6 = arith.constant 0 : index
    %get3A_7 = vector.load %arg3[%get3A_5, %get3A_6] : memref<512x64xf32, #tpu.memory_space<vmem>>, vector<512x64xf32>
    %get3A_8 = arith.constant 0 : index
    %get3A_9 = arith.constant 0 : index
    %get3A_10 = arith.constant 0 : index
    %get3A_11 = vector.load %arg5[%get3A_8, %get3A_9, %get3A_10] : memref<2x512x32xf32, #tpu.memory_space<vmem>>, vector<1x512x32xf32>
    %get3A_12 = vector.shape_cast %get3A_11 : vector<1x512x32xf32> to vector<512x32xf32>
    %get3A_13 = arith.constant 1 : index
    %get3A_14 = arith.constant 0 : index
    %get3A_15 = arith.constant 0 : index
    %get3A_16 = vector.load %arg5[%get3A_13, %get3A_14, %get3A_15] : memref<2x512x32xf32, #tpu.memory_space<vmem>>, vector<1x512x32xf32>
    %get3A_17 = vector.shape_cast %get3A_16 : vector<1x512x32xf32> to vector<512x32xf32>
    %add3A = arith.addf %get3A_12, %get3A_17 : vector<512x32xf32>
    %add3A_18 = arith.addf %get3A_4, %add3A : vector<512x32xf32>
    %get3A_19 = arith.constant 0 : index
    %get3A_20 = arith.constant 0 : index
    %get3A_21 = vector.load %arg7[%get3A_19, %get3A_20] : memref<32x32xf32, #tpu.memory_space<vmem>>, vector<32x32xf32>
    %dot_general3A = arith.constant dense<0.000000e+00> : vector<512x32xf32>
    %dot_general3A_22 = tpu.matmul %add3A_18, %get3A_21, %dot_general3A {dimension_numbers = #tpu.dot_dimension_numbers<[1], [0], [0], [1], [0, 0, 1, 1], [], []>, transpose_lhs_hint = false} : vector<512x32xf32>, vector<32x32xf32>, vector<512x32xf32> -> vector<512x32xf32>
    %get3A_23 = arith.constant 0 : index
    %get3A_24 = arith.constant 0 : index
    %get3A_25 = vector.load %arg8[%get3A_23, %get3A_24] : memref<1x32xf32, #tpu.memory_space<vmem>>, vector<1x32xf32>
    %add3A_26 = vector.broadcast %get3A_25 : vector<1x32xf32> to vector<512x32xf32>
    %add3A_27 = arith.addf %dot_general3A_22, %add3A_26 : vector<512x32xf32>
    %max3A = arith.constant 0.000000e+00 : f32
    %max3A_28 = vector.broadcast %max3A : f32 to vector<512x32xf32>
    %max3A_29 = arith.maximumf %add3A_27, %max3A_28 : vector<512x32xf32>
    %get3A_30 = arith.constant 0 : index
    %get3A_31 = arith.constant 0 : index
    %get3A_32 = vector.load %arg9[%get3A_30, %get3A_31] : memref<32x32xf32, #tpu.memory_space<vmem>>, vector<32x32xf32>
    %dot_general3A_33 = arith.constant dense<0.000000e+00> : vector<512x32xf32>
    %dot_general3A_34 = tpu.matmul %max3A_29, %get3A_32, %dot_general3A_33 {dimension_numbers = #tpu.dot_dimension_numbers<[1], [0], [0], [1], [0, 0, 1, 1], [], []>, transpose_lhs_hint = false} : vector<512x32xf32>, vector<32x32xf32>, vector<512x32xf32> -> vector<512x32xf32>
    %get3A_35 = arith.constant 0 : index
    %get3A_36 = arith.constant 0 : index
    %get3A_37 = vector.load %arg10[%get3A_35, %get3A_36] : memref<1x32xf32, #tpu.memory_space<vmem>>, vector<1x32xf32>
    %add3A_38 = vector.broadcast %get3A_37 : vector<1x32xf32> to vector<512x32xf32>
    %add3A_39 = arith.addf %dot_general3A_34, %add3A_38 : vector<512x32xf32>
    %swap3A = arith.constant 0 : index
    %swap3A_40 = arith.constant 0 : index
    %swap3A_41 = vector.load %arg51[%swap3A, %swap3A_40] : memref<512x32xf32, #tpu.memory_space<vmem>>, vector<512x32xf32>
    tpu.vector_store %arg51[%swap3A, %swap3A_40], %add3A_39 {strides = array<i32>} : memref<512x32xf32, #tpu.memory_space<vmem>>, vector<512x32xf32>,
    %get3A_42 = arith.constant 0 : index
    %get3A_43 = arith.constant 0 : index
    %get3A_44 = vector.load %arg11[%get3A_42, %get3A_43] : memref<32x32xf32, #tpu.memory_space<vmem>>, vector<32x32xf32>
    %dot_general3A_45 = arith.constant dense<0.000000e+00> : vector<512x32xf32>
    %dot_general3A_46 = tpu.matmul %add3A_39, %get3A_44, %dot_general3A_45 {dimension_numbers = #tpu.dot_dimension_numbers<[1], [0], [0], [1], [0, 0, 1, 1], [], []>, transpose_lhs_hint = false} : vector<512x32xf32>, vector<32x32xf32>, vector<512x32xf32> -> vector<512x32xf32>
    %get3A_47 = arith.constant 0 : index
    %get3A_48 = arith.constant 0 : index
    %get3A_49 = vector.load %arg12[%get3A_47, %get3A_48] : memref<1x32xf32, #tpu.memory_space<vmem>>, vector<1x32xf32>
    %add3A_50 = vector.broadcast %get3A_49 : vector<1x32xf32> to vector<512x32xf32>
    %add3A_51 = arith.addf %dot_general3A_46, %add3A_50 : vector<512x32xf32>
    %max3A_52 = arith.constant 0.000000e+00 : f32
    %max3A_53 = vector.broadcast %max3A_52 : f32 to vector<512x32xf32>
    %max3A_54 = arith.maximumf %add3A_51, %max3A_53 : vector<512x32xf32>
    %get3A_55 = arith.constant 0 : index
    %get3A_56 = arith.constant 0 : index
    %get3A_57 = vector.load %arg13[%get3A_55, %get3A_56] : memref<32x32xf32, #tpu.memory_space<vmem>>, vector<32x32xf32>
    %dot_general3A_58 = arith.constant dense<0.000000e+00> : vector<512x32xf32>
    %dot_general3A_59 = tpu.matmul %max3A_54, %get3A_57, %dot_general3A_58 {dimension_numbers = #tpu.dot_dimension_numbers<[1], [0], [0], [1], [0, 0, 1, 1], [], []>, transpose_lhs_hint = false} : vector<512x32xf32>, vector<32x32xf32>, vector<512x32xf32> -> vector<512x32xf32>
    %get3A_60 = arith.constant 0 : index
    %get3A_61 = arith.constant 0 : index
    %get3A_62 = vector.load %arg14[%get3A_60, %get3A_61] : memref<1x32xf32, #tpu.memory_space<vmem>>, vector<1x32xf32>
    %add3A_63 = vector.broadcast %get3A_62 : vector<1x32xf32> to vector<512x32xf32>
    %add3A_64 = arith.addf %dot_general3A_59, %add3A_63 : vector<512x32xf32>
    %max3A_65 = arith.constant 0.000000e+00 : f32
    %max3A_66 = vector.broadcast %max3A_65 : f32 to vector<512x32xf32>
    %max3A_67 = arith.maximumf %add3A_64, %max3A_66 : vector<512x32xf32>
    %get3A_68 = arith.constant 0 : index
    %get3A_69 = arith.constant 0 : index
    %get3A_70 = vector.load %arg15[%get3A_68, %get3A_69] : memref<32x32xf32, #tpu.memory_space<vmem>>, vector<32x32xf32>
    %dot_general3A_71 = arith.constant dense<0.000000e+00> : vector<512x32xf32>
    %dot_general3A_72 = tpu.matmul %max3A_67, %get3A_70, %dot_general3A_71 {dimension_numbers = #tpu.dot_dimension_numbers<[1], [0], [0], [1], [0, 0, 1, 1], [], []>, transpose_lhs_hint = false} : vector<512x32xf32>, vector<32x32xf32>, vector<512x32xf32> -> vector<512x32xf32>
    %get3A_73 = arith.constant 0 : index
    %get3A_74 = arith.constant 0 : index
    %get3A_75 = vector.load %arg16[%get3A_73, %get3A_74] : memref<1x32xf32, #tpu.memory_space<vmem>>, vector<1x32xf32>
    %add3A_76 = vector.broadcast %get3A_75 : vector<1x32xf32> to vector<512x32xf32>
    %add3A_77 = arith.addf %dot_general3A_72, %add3A_76 : vector<512x32xf32>
    %max3A_78 = arith.constant 0.000000e+00 : f32
    %max3A_79 = vector.broadcast %max3A_78 : f32 to vector<512x32xf32>
    %max3A_80 = arith.maximumf %add3A_77, %max3A_79 : vector<512x32xf32>
    %get3A_81 = arith.constant 0 : index
    %get3A_82 = arith.constant 0 : index
    %get3A_83 = vector.load %arg17[%get3A_81, %get3A_82] : memref<32x1xf32, #tpu.memory_space<vmem>>, vector<32x1xf32>
    %dot_general3A_84 = arith.constant dense<0.000000e+00> : vector<512x1xf32>
    %dot_general3A_85 = tpu.matmul %max3A_80, %get3A_83, %dot_general3A_84 {dimension_numbers = #tpu.dot_dimension_numbers<[1], [0], [0], [1], [0, 0, 1, 1], [], []>, transpose_lhs_hint = false} : vector<512x32xf32>, vector<32x1xf32>, vector<512x1xf32> -> vector<512x1xf32>
    %get3A_86 = arith.constant 0 : index
    %get3A_87 = arith.constant 0 : index
    %get3A_88 = vector.load %arg18[%get3A_86, %get3A_87] : memref<1x1xf32, #tpu.memory_space<vmem>>, vector<1x1xf32>
    %add3A_89 = vector.broadcast %get3A_88 : vector<1x1xf32> to vector<512x1xf32>
    %add3A_90 = arith.addf %dot_general3A_85, %add3A_89 : vector<512x1xf32>
    %max3A_91 = arith.constant 0.000000e+00 : f32
    %max3A_92 = vector.broadcast %max3A_91 : f32 to vector<512x1xf32>
    %max3A_93 = arith.maximumf %add3A_90, %max3A_92 : vector<512x1xf32>
    %slice3A = vector.extract_strided_slice %get3A_7 {offsets = [0, 0], sizes = [512, 32], strides = [1, 1]} : vector<512x64xf32> to vector<512x32xf32>
    %slice3A_94 = vector.extract_strided_slice %get3A_7 {offsets = [0, 32], sizes = [512, 32], strides = [1, 1]} : vector<512x64xf32> to vector<512x32xf32>
    %get3A_95 = arith.constant 0 : index
    %get3A_96 = arith.constant 0 : index
    %get3A_97 = vector.load %arg4[%get3A_95, %get3A_96] : memref<512x8xf32, #tpu.memory_space<vmem>>, vector<512x8xf32>
    %slice3A_98 = vector.extract_strided_slice %get3A_97 {offsets = [0, 0], sizes = [512, 1], strides = [1, 1]} : vector<512x8xf32> to vector<512x1xf32>
    %max3A_99 = arith.constant 1.000000e+00 : f32
    %max3A_100 = vector.broadcast %max3A_99 : f32 to vector<512x1xf32>
    %max3A_101 = arith.maximumf %slice3A_98, %max3A_100 : vector<512x1xf32>
    %div3A = vector.broadcast %max3A_101 : vector<512x1xf32> to vector<512x32xf32>
    %div3A_102 = arith.divf %slice3A, %div3A : vector<512x32xf32>
    %div3A_103 = vector.broadcast %max3A_101 : vector<512x1xf32> to vector<512x32xf32>
    %div3A_104 = arith.divf %slice3A_94, %div3A_103 : vector<512x32xf32>
    %mul3A = arith.mulf %div3A_102, %div3A_102 : vector<512x32xf32>
    %sub3A = arith.subf %div3A_104, %mul3A : vector<512x32xf32>
    %max3A_105 = arith.constant 0.000000e+00 : f32
    %max3A_106 = vector.broadcast %max3A_105 : f32 to vector<512x32xf32>
    %max3A_107 = arith.maximumf %sub3A, %max3A_106 : vector<512x32xf32>
    %add3A_108 = arith.constant 9.99999974E-6 : f32
    %add3A_109 = vector.broadcast %add3A_108 : f32 to vector<512x32xf32>
    %add3A_110 = arith.addf %max3A_107, %add3A_109 : vector<512x32xf32>
    %sqrt3A = math.sqrt %add3A_110 : vector<512x32xf32>
    %get3A_111 = arith.constant 0 : index
    %get3A_112 = arith.constant 0 : index
    %get3A_113 = vector.load %arg19[%get3A_111, %get3A_112] : memref<32x32xf32, #tpu.memory_space<vmem>>, vector<32x32xf32>
    %dot_general3A_114 = arith.constant dense<0.000000e+00> : vector<512x32xf32>
    %dot_general3A_115 = tpu.matmul %div3A_102, %get3A_113, %dot_general3A_114 {dimension_numbers = #tpu.dot_dimension_numbers<[1], [0], [0], [1], [0, 0, 1, 1], [], []>, transpose_lhs_hint = false} : vector<512x32xf32>, vector<32x32xf32>, vector<512x32xf32> -> vector<512x32xf32>
    %get3A_116 = arith.constant 0 : index
    %get3A_117 = arith.constant 0 : index
    %get3A_118 = vector.load %arg20[%get3A_116, %get3A_117] : memref<1x32xf32, #tpu.memory_space<vmem>>, vector<1x32xf32>
    %add3A_119 = vector.broadcast %get3A_118 : vector<1x32xf32> to vector<512x32xf32>
    %add3A_120 = arith.addf %dot_general3A_115, %add3A_119 : vector<512x32xf32>
    %get3A_121 = arith.constant 0 : index
    %get3A_122 = arith.constant 0 : index
    %get3A_123 = vector.load %arg21[%get3A_121, %get3A_122] : memref<32x32xf32, #tpu.memory_space<vmem>>, vector<32x32xf32>
    %dot_general3A_124 = arith.constant dense<0.000000e+00> : vector<512x32xf32>
    %dot_general3A_125 = tpu.matmul %get3A_1, %get3A_123, %dot_general3A_124 {dimension_numbers = #tpu.dot_dimension_numbers<[1], [0], [0], [1], [0, 0, 1, 1], [], []>, transpose_lhs_hint = false} : vector<512x32xf32>, vector<32x32xf32>, vector<512x32xf32> -> vector<512x32xf32>
    %add3A_126 = arith.addf %add3A_120, %dot_general3A_125 : vector<512x32xf32>
    %get3A_127 = arith.constant 0 : index
    %get3A_128 = arith.constant 0 : index
    %get3A_129 = vector.load %arg22[%get3A_127, %get3A_128] : memref<1x32xf32, #tpu.memory_space<vmem>>, vector<1x32xf32>
    %add3A_130 = vector.broadcast %get3A_129 : vector<1x32xf32> to vector<512x32xf32>
    %add3A_131 = arith.addf %add3A_126, %add3A_130 : vector<512x32xf32>
    %get3A_132 = arith.constant 0 : index
    %get3A_133 = arith.constant 0 : index
    %get3A_134 = vector.load %arg23[%get3A_132, %get3A_133] : memref<32x32xf32, #tpu.memory_space<vmem>>, vector<32x32xf32>
    %dot_general3A_135 = arith.constant dense<0.000000e+00> : vector<512x32xf32>
    %dot_general3A_136 = tpu.matmul %sqrt3A, %get3A_134, %dot_general3A_135 {dimension_numbers = #tpu.dot_dimension_numbers<[1], [0], [0], [1], [0, 0, 1, 1], [], []>, transpose_lhs_hint = false} : vector<512x32xf32>, vector<32x32xf32>, vector<512x32xf32> -> vector<512x32xf32>
    %get3A_137 = arith.constant 0 : index
    %get3A_138 = arith.constant 0 : index
    %get3A_139 = vector.load %arg24[%get3A_137, %get3A_138] : memref<1x32xf32, #tpu.memory_space<vmem>>, vector<1x32xf32>
    %add3A_140 = vector.broadcast %get3A_139 : vector<1x32xf32> to vector<512x32xf32>
    %add3A_141 = arith.addf %dot_general3A_136, %add3A_140 : vector<512x32xf32>
    %get3A_142 = arith.constant 0 : index
    %get3A_143 = arith.constant 0 : index
    %get3A_144 = vector.load %arg25[%get3A_142, %get3A_143] : memref<32x32xf32, #tpu.memory_space<vmem>>, vector<32x32xf32>
    %dot_general3A_145 = arith.constant dense<0.000000e+00> : vector<512x32xf32>
    %dot_general3A_146 = tpu.matmul %add3A_39, %get3A_144, %dot_general3A_145 {dimension_numbers = #tpu.dot_dimension_numbers<[1], [0], [0], [1], [0, 0, 1, 1], [], []>, transpose_lhs_hint = false} : vector<512x32xf32>, vector<32x32xf32>, vector<512x32xf32> -> vector<512x32xf32>
    %get3A_147 = arith.constant 0 : index
    %get3A_148 = arith.constant 0 : index
    %get3A_149 = vector.load %arg26[%get3A_147, %get3A_148] : memref<1x32xf32, #tpu.memory_space<vmem>>, vector<1x32xf32>
    %add3A_150 = vector.broadcast %get3A_149 : vector<1x32xf32> to vector<512x32xf32>
    %add3A_151 = arith.addf %dot_general3A_146, %add3A_150 : vector<512x32xf32>
    %max3A_152 = arith.constant 0.000000e+00 : f32
    %max3A_153 = vector.broadcast %max3A_152 : f32 to vector<512x32xf32>
    %max3A_154 = arith.maximumf %add3A_151, %max3A_153 : vector<512x32xf32>
    %get3A_155 = arith.constant 0 : index
    %get3A_156 = arith.constant 0 : index
    %get3A_157 = vector.load %arg27[%get3A_155, %get3A_156] : memref<32x32xf32, #tpu.memory_space<vmem>>, vector<32x32xf32>
    %dot_general3A_158 = arith.constant dense<0.000000e+00> : vector<512x32xf32>
    %dot_general3A_159 = tpu.matmul %max3A_154, %get3A_157, %dot_general3A_158 {dimension_numbers = #tpu.dot_dimension_numbers<[1], [0], [0], [1], [0, 0, 1, 1], [], []>, transpose_lhs_hint = false} : vector<512x32xf32>, vector<32x32xf32>, vector<512x32xf32> -> vector<512x32xf32>
    %get3A_160 = arith.constant 0 : index
    %get3A_161 = arith.constant 0 : index
    %get3A_162 = vector.load %arg28[%get3A_160, %get3A_161] : memref<1x32xf32, #tpu.memory_space<vmem>>, vector<1x32xf32>
    %add3A_163 = vector.broadcast %get3A_162 : vector<1x32xf32> to vector<512x32xf32>
    %add3A_164 = arith.addf %dot_general3A_159, %add3A_163 : vector<512x32xf32>
    %max3A_165 = arith.constant 0.000000e+00 : f32
    %max3A_166 = vector.broadcast %max3A_165 : f32 to vector<512x32xf32>
    %max3A_167 = arith.maximumf %add3A_164, %max3A_166 : vector<512x32xf32>
    %get3A_168 = arith.constant 0 : index
    %get3A_169 = arith.constant 0 : index
    %get3A_170 = vector.load %arg29[%get3A_168, %get3A_169] : memref<32x128xf32, #tpu.memory_space<vmem>>, vector<32x128xf32>
    %dot_general3A_171 = arith.constant dense<0.000000e+00> : vector<512x128xf32>
    %dot_general3A_172 = tpu.matmul %max3A_167, %get3A_170, %dot_general3A_171 {dimension_numbers = #tpu.dot_dimension_numbers<[1], [0], [0], [1], [0, 0, 1, 1], [], []>, transpose_lhs_hint = false} : vector<512x32xf32>, vector<32x128xf32>, vector<512x128xf32> -> vector<512x128xf32>
    %get3A_173 = arith.constant 0 : index
    %get3A_174 = arith.constant 0 : index
    %get3A_175 = vector.load %arg30[%get3A_173, %get3A_174] : memref<1x128xf32, #tpu.memory_space<vmem>>, vector<1x128xf32>
    %add3A_176 = vector.broadcast %get3A_175 : vector<1x128xf32> to vector<512x128xf32>
    %add3A_177 = arith.addf %dot_general3A_172, %add3A_176 : vector<512x128xf32>
    %swap3A_178 = arith.constant 0 : index
    %swap3A_179 = arith.constant 0 : index
    %swap3A_180 = vector.load %arg53[%swap3A_178, %swap3A_179] : memref<512x128xf32, #tpu.memory_space<vmem>>, vector<512x128xf32>
    tpu.vector_store %arg53[%swap3A_178, %swap3A_179], %add3A_177 {strides = array<i32>} : memref<512x128xf32, #tpu.memory_space<vmem>>, vector<512x128xf32>,
    %get3A_181 = arith.constant 0 : index
    %get3A_182 = arith.constant 0 : index
    %get3A_183 = vector.load %arg31[%get3A_181, %get3A_182] : memref<32x32xf32, #tpu.memory_space<vmem>>, vector<32x32xf32>
    %dot_general3A_184 = arith.constant dense<0.000000e+00> : vector<512x32xf32>
    %dot_general3A_185 = tpu.matmul %add3A_39, %get3A_183, %dot_general3A_184 {dimension_numbers = #tpu.dot_dimension_numbers<[1], [0], [0], [1], [0, 0, 1, 1], [], []>, transpose_lhs_hint = false} : vector<512x32xf32>, vector<32x32xf32>, vector<512x32xf32> -> vector<512x32xf32>
    %get3A_186 = arith.constant 0 : index
    %get3A_187 = arith.constant 0 : index
    %get3A_188 = vector.load %arg32[%get3A_186, %get3A_187] : memref<1x32xf32, #tpu.memory_space<vmem>>, vector<1x32xf32>
    %add3A_189 = vector.broadcast %get3A_188 : vector<1x32xf32> to vector<512x32xf32>
    %add3A_190 = arith.addf %dot_general3A_185, %add3A_189 : vector<512x32xf32>
    %max3A_191 = arith.constant 0.000000e+00 : f32
    %max3A_192 = vector.broadcast %max3A_191 : f32 to vector<512x32xf32>
    %max3A_193 = arith.maximumf %add3A_190, %max3A_192 : vector<512x32xf32>
    %get3A_194 = arith.constant 0 : index
    %get3A_195 = arith.constant 0 : index
    %get3A_196 = vector.load %arg33[%get3A_194, %get3A_195] : memref<32x32xf32, #tpu.memory_space<vmem>>, vector<32x32xf32>
    %dot_general3A_197 = arith.constant dense<0.000000e+00> : vector<512x32xf32>
    %dot_general3A_198 = tpu.matmul %max3A_193, %get3A_196, %dot_general3A_197 {dimension_numbers = #tpu.dot_dimension_numbers<[1], [0], [0], [1], [0, 0, 1, 1], [], []>, transpose_lhs_hint = false} : vector<512x32xf32>, vector<32x32xf32>, vector<512x32xf32> -> vector<512x32xf32>
    %get3A_199 = arith.constant 0 : index
    %get3A_200 = arith.constant 0 : index
    %get3A_201 = vector.load %arg34[%get3A_199, %get3A_200] : memref<1x32xf32, #tpu.memory_space<vmem>>, vector<1x32xf32>
    %add3A_202 = vector.broadcast %get3A_201 : vector<1x32xf32> to vector<512x32xf32>
    %add3A_203 = arith.addf %dot_general3A_198, %add3A_202 : vector<512x32xf32>
    %max3A_204 = arith.constant 0.000000e+00 : f32
    %max3A_205 = vector.broadcast %max3A_204 : f32 to vector<512x32xf32>
    %max3A_206 = arith.maximumf %add3A_203, %max3A_205 : vector<512x32xf32>
    %get3A_207 = arith.constant 0 : index
    %get3A_208 = arith.constant 0 : index
    %get3A_209 = vector.load %arg35[%get3A_207, %get3A_208] : memref<32x32xf32, #tpu.memory_space<vmem>>, vector<32x32xf32>
    %dot_general3A_210 = arith.constant dense<0.000000e+00> : vector<512x32xf32>
    %dot_general3A_211 = tpu.matmul %max3A_206, %get3A_209, %dot_general3A_210 {dimension_numbers = #tpu.dot_dimension_numbers<[1], [0], [0], [1], [0, 0, 1, 1], [], []>, transpose_lhs_hint = false} : vector<512x32xf32>, vector<32x32xf32>, vector<512x32xf32> -> vector<512x32xf32>
    %get3A_212 = arith.constant 0 : index
    %get3A_213 = arith.constant 0 : index
    %get3A_214 = vector.load %arg36[%get3A_212, %get3A_213] : memref<1x32xf32, #tpu.memory_space<vmem>>, vector<1x32xf32>
    %add3A_215 = vector.broadcast %get3A_214 : vector<1x32xf32> to vector<512x32xf32>
    %add3A_216 = arith.addf %dot_general3A_211, %add3A_215 : vector<512x32xf32>
    %get3A_217 = arith.constant 0 : index
    %get3A_218 = arith.constant 0 : index
    %get3A_219 = vector.load %arg37[%get3A_217, %get3A_218] : memref<32x32xf32, #tpu.memory_space<vmem>>, vector<32x32xf32>
    %dot_general3A_220 = arith.constant dense<0.000000e+00> : vector<512x32xf32>
    %dot_general3A_221 = tpu.matmul %add3A_39, %get3A_219, %dot_general3A_220 {dimension_numbers = #tpu.dot_dimension_numbers<[1], [0], [0], [1], [0, 0, 1, 1], [], []>, transpose_lhs_hint = false} : vector<512x32xf32>, vector<32x32xf32>, vector<512x32xf32> -> vector<512x32xf32>
    %get3A_222 = arith.constant 0 : index
    %get3A_223 = arith.constant 0 : index
    %get3A_224 = vector.load %arg38[%get3A_222, %get3A_223] : memref<1x32xf32, #tpu.memory_space<vmem>>, vector<1x32xf32>
    %add3A_225 = vector.broadcast %get3A_224 : vector<1x32xf32> to vector<512x32xf32>
    %add3A_226 = arith.addf %dot_general3A_221, %add3A_225 : vector<512x32xf32>
    %max3A_227 = arith.constant 0.000000e+00 : f32
    %max3A_228 = vector.broadcast %max3A_227 : f32 to vector<512x32xf32>
    %max3A_229 = arith.maximumf %add3A_226, %max3A_228 : vector<512x32xf32>
    %get3A_230 = arith.constant 0 : index
    %get3A_231 = arith.constant 0 : index
    %get3A_232 = vector.load %arg39[%get3A_230, %get3A_231] : memref<32x32xf32, #tpu.memory_space<vmem>>, vector<32x32xf32>
    %dot_general3A_233 = arith.constant dense<0.000000e+00> : vector<512x32xf32>
    %dot_general3A_234 = tpu.matmul %max3A_229, %get3A_232, %dot_general3A_233 {dimension_numbers = #tpu.dot_dimension_numbers<[1], [0], [0], [1], [0, 0, 1, 1], [], []>, transpose_lhs_hint = false} : vector<512x32xf32>, vector<32x32xf32>, vector<512x32xf32> -> vector<512x32xf32>
    %get3A_235 = arith.constant 0 : index
    %get3A_236 = arith.constant 0 : index
    %get3A_237 = vector.load %arg40[%get3A_235, %get3A_236] : memref<1x32xf32, #tpu.memory_space<vmem>>, vector<1x32xf32>
    %add3A_238 = vector.broadcast %get3A_237 : vector<1x32xf32> to vector<512x32xf32>
    %add3A_239 = arith.addf %dot_general3A_234, %add3A_238 : vector<512x32xf32>
    %max3A_240 = arith.constant 0.000000e+00 : f32
    %max3A_241 = vector.broadcast %max3A_240 : f32 to vector<512x32xf32>
    %max3A_242 = arith.maximumf %add3A_239, %max3A_241 : vector<512x32xf32>
    %get3A_243 = arith.constant 0 : index
    %get3A_244 = arith.constant 0 : index
    %get3A_245 = vector.load %arg41[%get3A_243, %get3A_244] : memref<32x32xf32, #tpu.memory_space<vmem>>, vector<32x32xf32>
    %dot_general3A_246 = arith.constant dense<0.000000e+00> : vector<512x32xf32>
    %dot_general3A_247 = tpu.matmul %max3A_242, %get3A_245, %dot_general3A_246 {dimension_numbers = #tpu.dot_dimension_numbers<[1], [0], [0], [1], [0, 0, 1, 1], [], []>, transpose_lhs_hint = false} : vector<512x32xf32>, vector<32x32xf32>, vector<512x32xf32> -> vector<512x32xf32>
    %get3A_248 = arith.constant 0 : index
    %get3A_249 = arith.constant 0 : index
    %get3A_250 = vector.load %arg42[%get3A_248, %get3A_249] : memref<1x32xf32, #tpu.memory_space<vmem>>, vector<1x32xf32>
    %add3A_251 = vector.broadcast %get3A_250 : vector<1x32xf32> to vector<512x32xf32>
    %add3A_252 = arith.addf %dot_general3A_247, %add3A_251 : vector<512x32xf32>
    %exp3A = math.exp %add3A_252 : vector<512x32xf32>
    %get3A_253 = arith.constant 0 : index
    %get3A_254 = arith.constant 0 : index
    %get3A_255 = arith.constant 0 : index
    %get3A_256 = vector.load %arg6[%get3A_253, %get3A_254, %get3A_255] : memref<2x512x32xf32, #tpu.memory_space<vmem>>, vector<1x512x32xf32>
    %get3A_257 = vector.shape_cast %get3A_256 : vector<1x512x32xf32> to vector<512x32xf32>
    %mul3A_258 = arith.mulf %exp3A, %get3A_257 : vector<512x32xf32>
    %add3A_259 = arith.addf %add3A_216, %mul3A_258 : vector<512x32xf32>
    %get3A_260 = arith.constant 0 : index
    %get3A_261 = arith.constant 0 : index
    %get3A_262 = vector.load %arg43[%get3A_260, %get3A_261] : memref<32x32xf32, #tpu.memory_space<vmem>>, vector<32x32xf32>
    %dot_general3A_263 = arith.constant dense<0.000000e+00> : vector<512x32xf32>
    %dot_general3A_264 = tpu.matmul %add3A_259, %get3A_262, %dot_general3A_263 {dimension_numbers = #tpu.dot_dimension_numbers<[1], [0], [0], [1], [0, 0, 1, 1], [], []>, transpose_lhs_hint = false} : vector<512x32xf32>, vector<32x32xf32>, vector<512x32xf32> -> vector<512x32xf32>
    %get3A_265 = arith.constant 0 : index
    %get3A_266 = arith.constant 0 : index
    %get3A_267 = vector.load %arg44[%get3A_265, %get3A_266] : memref<1x32xf32, #tpu.memory_space<vmem>>, vector<1x32xf32>
    %add3A_268 = vector.broadcast %get3A_267 : vector<1x32xf32> to vector<512x32xf32>
    %add3A_269 = arith.addf %dot_general3A_264, %add3A_268 : vector<512x32xf32>
    %max3A_270 = arith.constant 0.000000e+00 : f32
    %max3A_271 = vector.broadcast %max3A_270 : f32 to vector<512x32xf32>
    %max3A_272 = arith.maximumf %add3A_269, %max3A_271 : vector<512x32xf32>
    %get3A_273 = arith.constant 0 : index
    %get3A_274 = arith.constant 0 : index
    %get3A_275 = vector.load %arg45[%get3A_273, %get3A_274] : memref<32x32xf32, #tpu.memory_space<vmem>>, vector<32x32xf32>
    %dot_general3A_276 = arith.constant dense<0.000000e+00> : vector<512x32xf32>
    %dot_general3A_277 = tpu.matmul %max3A_272, %get3A_275, %dot_general3A_276 {dimension_numbers = #tpu.dot_dimension_numbers<[1], [0], [0], [1], [0, 0, 1, 1], [], []>, transpose_lhs_hint = false} : vector<512x32xf32>, vector<32x32xf32>, vector<512x32xf32> -> vector<512x32xf32>
    %get3A_278 = arith.constant 0 : index
    %get3A_279 = arith.constant 0 : index
    %get3A_280 = vector.load %arg46[%get3A_278, %get3A_279] : memref<1x32xf32, #tpu.memory_space<vmem>>, vector<1x32xf32>
    %add3A_281 = vector.broadcast %get3A_280 : vector<1x32xf32> to vector<512x32xf32>
    %add3A_282 = arith.addf %dot_general3A_277, %add3A_281 : vector<512x32xf32>
    %max3A_283 = arith.constant 0.000000e+00 : f32
    %max3A_284 = vector.broadcast %max3A_283 : f32 to vector<512x32xf32>
    %max3A_285 = arith.maximumf %add3A_282, %max3A_284 : vector<512x32xf32>
    %get3A_286 = arith.constant 0 : index
    %get3A_287 = arith.constant 0 : index
    %get3A_288 = vector.load %arg47[%get3A_286, %get3A_287] : memref<32x32xf32, #tpu.memory_space<vmem>>, vector<32x32xf32>
    %dot_general3A_289 = arith.constant dense<0.000000e+00> : vector<512x32xf32>
    %dot_general3A_290 = tpu.matmul %max3A_285, %get3A_288, %dot_general3A_289 {dimension_numbers = #tpu.dot_dimension_numbers<[1], [0], [0], [1], [0, 0, 1, 1], [], []>, transpose_lhs_hint = false} : vector<512x32xf32>, vector<32x32xf32>, vector<512x32xf32> -> vector<512x32xf32>
    %get3A_291 = arith.constant 0 : index
    %get3A_292 = arith.constant 0 : index
    %get3A_293 = vector.load %arg48[%get3A_291, %get3A_292] : memref<1x32xf32, #tpu.memory_space<vmem>>, vector<1x32xf32>
    %add3A_294 = vector.broadcast %get3A_293 : vector<1x32xf32> to vector<512x32xf32>
    %add3A_295 = arith.addf %dot_general3A_290, %add3A_294 : vector<512x32xf32>
    %max3A_296 = arith.constant 0.000000e+00 : f32
    %max3A_297 = vector.broadcast %max3A_296 : f32 to vector<512x32xf32>
    %max3A_298 = arith.maximumf %add3A_295, %max3A_297 : vector<512x32xf32>
    %get3A_299 = arith.constant 0 : index
    %get3A_300 = arith.constant 0 : index
    %get3A_301 = vector.load %arg49[%get3A_299, %get3A_300] : memref<32x32xf32, #tpu.memory_space<vmem>>, vector<32x32xf32>
    %dot_general3A_302 = arith.constant dense<0.000000e+00> : vector<512x32xf32>
    %dot_general3A_303 = tpu.matmul %max3A_298, %get3A_301, %dot_general3A_302 {dimension_numbers = #tpu.dot_dimension_numbers<[1], [0], [0], [1], [0, 0, 1, 1], [], []>, transpose_lhs_hint = false} : vector<512x32xf32>, vector<32x32xf32>, vector<512x32xf32> -> vector<512x32xf32>
    %get3A_304 = arith.constant 0 : index
    %get3A_305 = arith.constant 0 : index
    %get3A_306 = vector.load %arg50[%get3A_304, %get3A_305] : memref<1x32xf32, #tpu.memory_space<vmem>>, vector<1x32xf32>
    %add3A_307 = vector.broadcast %get3A_306 : vector<1x32xf32> to vector<512x32xf32>
    %add3A_308 = arith.addf %dot_general3A_303, %add3A_307 : vector<512x32xf32>
    %get3A_309 = arith.constant 1 : index
    %get3A_310 = arith.constant 0 : index
    %get3A_311 = arith.constant 0 : index
    %get3A_312 = vector.load %arg6[%get3A_309, %get3A_310, %get3A_311] : memref<2x512x32xf32, #tpu.memory_space<vmem>>, vector<1x512x32xf32>
    %get3A_313 = vector.shape_cast %get3A_312 : vector<1x512x32xf32> to vector<512x32xf32>
    %mul3A_314 = arith.mulf %exp3A, %get3A_313 : vector<512x32xf32>
    %add3A_315 = arith.addf %add3A_216, %mul3A_314 : vector<512x32xf32>
    %get3A_316 = arith.constant 0 : index
    %get3A_317 = arith.constant 0 : index
    %get3A_318 = vector.load %arg43[%get3A_316, %get3A_317] : memref<32x32xf32, #tpu.memory_space<vmem>>, vector<32x32xf32>
    %dot_general3A_319 = arith.constant dense<0.000000e+00> : vector<512x32xf32>
    %dot_general3A_320 = tpu.matmul %add3A_315, %get3A_318, %dot_general3A_319 {dimension_numbers = #tpu.dot_dimension_numbers<[1], [0], [0], [1], [0, 0, 1, 1], [], []>, transpose_lhs_hint = false} : vector<512x32xf32>, vector<32x32xf32>, vector<512x32xf32> -> vector<512x32xf32>
    %get3A_321 = arith.constant 0 : index
    %get3A_322 = arith.constant 0 : index
    %get3A_323 = vector.load %arg44[%get3A_321, %get3A_322] : memref<1x32xf32, #tpu.memory_space<vmem>>, vector<1x32xf32>
    %add3A_324 = vector.broadcast %get3A_323 : vector<1x32xf32> to vector<512x32xf32>
    %add3A_325 = arith.addf %dot_general3A_320, %add3A_324 : vector<512x32xf32>
    %max3A_326 = arith.constant 0.000000e+00 : f32
    %max3A_327 = vector.broadcast %max3A_326 : f32 to vector<512x32xf32>
    %max3A_328 = arith.maximumf %add3A_325, %max3A_327 : vector<512x32xf32>
    %get3A_329 = arith.constant 0 : index
    %get3A_330 = arith.constant 0 : index
    %get3A_331 = vector.load %arg45[%get3A_329, %get3A_330] : memref<32x32xf32, #tpu.memory_space<vmem>>, vector<32x32xf32>
    %dot_general3A_332 = arith.constant dense<0.000000e+00> : vector<512x32xf32>
    %dot_general3A_333 = tpu.matmul %max3A_328, %get3A_331, %dot_general3A_332 {dimension_numbers = #tpu.dot_dimension_numbers<[1], [0], [0], [1], [0, 0, 1, 1], [], []>, transpose_lhs_hint = false} : vector<512x32xf32>, vector<32x32xf32>, vector<512x32xf32> -> vector<512x32xf32>
    %get3A_334 = arith.constant 0 : index
    %get3A_335 = arith.constant 0 : index
    %get3A_336 = vector.load %arg46[%get3A_334, %get3A_335] : memref<1x32xf32, #tpu.memory_space<vmem>>, vector<1x32xf32>
    %add3A_337 = vector.broadcast %get3A_336 : vector<1x32xf32> to vector<512x32xf32>
    %add3A_338 = arith.addf %dot_general3A_333, %add3A_337 : vector<512x32xf32>
    %max3A_339 = arith.constant 0.000000e+00 : f32
    %max3A_340 = vector.broadcast %max3A_339 : f32 to vector<512x32xf32>
    %max3A_341 = arith.maximumf %add3A_338, %max3A_340 : vector<512x32xf32>
    %get3A_342 = arith.constant 0 : index
    %get3A_343 = arith.constant 0 : index
    %get3A_344 = vector.load %arg47[%get3A_342, %get3A_343] : memref<32x32xf32, #tpu.memory_space<vmem>>, vector<32x32xf32>
    %dot_general3A_345 = arith.constant dense<0.000000e+00> : vector<512x32xf32>
    %dot_general3A_346 = tpu.matmul %max3A_341, %get3A_344, %dot_general3A_345 {dimension_numbers = #tpu.dot_dimension_numbers<[1], [0], [0], [1], [0, 0, 1, 1], [], []>, transpose_lhs_hint = false} : vector<512x32xf32>, vector<32x32xf32>, vector<512x32xf32> -> vector<512x32xf32>
    %get3A_347 = arith.constant 0 : index
    %get3A_348 = arith.constant 0 : index
    %get3A_349 = vector.load %arg48[%get3A_347, %get3A_348] : memref<1x32xf32, #tpu.memory_space<vmem>>, vector<1x32xf32>
    %add3A_350 = vector.broadcast %get3A_349 : vector<1x32xf32> to vector<512x32xf32>
    %add3A_351 = arith.addf %dot_general3A_346, %add3A_350 : vector<512x32xf32>
    %max3A_352 = arith.constant 0.000000e+00 : f32
    %max3A_353 = vector.broadcast %max3A_352 : f32 to vector<512x32xf32>
    %max3A_354 = arith.maximumf %add3A_351, %max3A_353 : vector<512x32xf32>
    %get3A_355 = arith.constant 0 : index
    %get3A_356 = arith.constant 0 : index
    %get3A_357 = vector.load %arg49[%get3A_355, %get3A_356] : memref<32x32xf32, #tpu.memory_space<vmem>>, vector<32x32xf32>
    %dot_general3A_358 = arith.constant dense<0.000000e+00> : vector<512x32xf32>
    %dot_general3A_359 = tpu.matmul %max3A_354, %get3A_357, %dot_general3A_358 {dimension_numbers = #tpu.dot_dimension_numbers<[1], [0], [0], [1], [0, 0, 1, 1], [], []>, transpose_lhs_hint = false} : vector<512x32xf32>, vector<32x32xf32>, vector<512x32xf32> -> vector<512x32xf32>
    %get3A_360 = arith.constant 0 : index
    %get3A_361 = arith.constant 0 : index
    %get3A_362 = vector.load %arg50[%get3A_360, %get3A_361] : memref<1x32xf32, #tpu.memory_space<vmem>>, vector<1x32xf32>
    %add3A_363 = vector.broadcast %get3A_362 : vector<1x32xf32> to vector<512x32xf32>
    %add3A_364 = arith.addf %dot_general3A_359, %add3A_363 : vector<512x32xf32>
    %add3A_365 = arith.addf %add3A_308, %add3A_364 : vector<512x32xf32>
    %mul3A_366 = arith.constant 5.000000e-01 : f32
    %mul3A_367 = vector.broadcast %mul3A_366 : f32 to vector<512x32xf32>
    %mul3A_368 = arith.mulf %mul3A_367, %add3A_365 : vector<512x32xf32>
    %sub3A_369 = arith.subf %add3A_308, %add3A_364 : vector<512x32xf32>
    %abs3A = math.absf %sub3A_369 : vector<512x32xf32>
    %mul3A_370 = arith.constant 5.000000e-01 : f32
    %mul3A_371 = vector.broadcast %mul3A_370 : f32 to vector<512x32xf32>
    %mul3A_372 = arith.mulf %mul3A_371, %abs3A : vector<512x32xf32>
    %mul3A_373 = arith.mulf %add3A_141, %add3A_141 : vector<512x32xf32>
    %reduce_sum3A = arith.constant dense<0.000000e+00> : vector<512xf32>
    %reduce_sum3A_374 = vector.multi_reduction <add>, %mul3A_373, %reduce_sum3A [1] : vector<512x32xf32> to vector<512xf32>
    %broadcast_in_dim3A = vector.shape_cast %reduce_sum3A_374 : vector<512xf32> to vector<512x1xf32>
    %mul3A_375 = arith.mulf %mul3A_372, %mul3A_372 : vector<512x32xf32>
    %reduce_sum3A_376 = arith.constant dense<0.000000e+00> : vector<512xf32>
    %reduce_sum3A_377 = vector.multi_reduction <add>, %mul3A_375, %reduce_sum3A_376 [1] : vector<512x32xf32> to vector<512xf32>
    %broadcast_in_dim3A_378 = vector.shape_cast %reduce_sum3A_377 : vector<512xf32> to vector<512x1xf32>
    %mul3A_379 = arith.mulf %mul3A_372, %add3A_141 : vector<512x32xf32>
    %reduce_sum3A_380 = arith.constant dense<0.000000e+00> : vector<512xf32>
    %reduce_sum3A_381 = vector.multi_reduction <add>, %mul3A_379, %reduce_sum3A_380 [1] : vector<512x32xf32> to vector<512xf32>
    %broadcast_in_dim3A_382 = vector.shape_cast %reduce_sum3A_381 : vector<512xf32> to vector<512x1xf32>
    %add3A_383 = arith.constant 1.000000e+00 : f32
    %add3A_384 = vector.broadcast %add3A_383 : f32 to vector<512x1xf32>
    %add3A_385 = arith.addf %add3A_384, %broadcast_in_dim3A : vector<512x1xf32>
    %add3A_386 = arith.constant 1.000000e+00 : f32
    %add3A_387 = vector.broadcast %add3A_386 : f32 to vector<512x1xf32>
    %add3A_388 = arith.addf %add3A_387, %broadcast_in_dim3A_378 : vector<512x1xf32>
    %add3A_389 = arith.constant 3.200000e+01 : f32
    %add3A_390 = vector.broadcast %add3A_389 : f32 to vector<512x1xf32>
    %add3A_391 = arith.addf %add3A_390, %broadcast_in_dim3A : vector<512x1xf32>
    %mul3A_392 = arith.mulf %broadcast_in_dim3A_382, %broadcast_in_dim3A_382 : vector<512x1xf32>
    %add3A_393 = arith.addf %broadcast_in_dim3A_378, %mul3A_392 : vector<512x1xf32>
    %div3A_394 = arith.divf %add3A_393, %add3A_388 : vector<512x1xf32>
    %sub3A_395 = arith.subf %add3A_391, %div3A_394 : vector<512x1xf32>
    %sub3A_396 = arith.subf %mul3A_368, %add3A_131 : vector<512x32xf32>
    %mul3A_397 = arith.mulf %sub3A_396, %sub3A_396 : vector<512x32xf32>
    %reduce_sum3A_398 = arith.constant dense<0.000000e+00> : vector<512xf32>
    %reduce_sum3A_399 = vector.multi_reduction <add>, %mul3A_397, %reduce_sum3A_398 [1] : vector<512x32xf32> to vector<512xf32>
    %broadcast_in_dim3A_400 = vector.shape_cast %reduce_sum3A_399 : vector<512xf32> to vector<512x1xf32>
    %mul3A_401 = arith.mulf %mul3A_372, %sub3A_396 : vector<512x32xf32>
    %reduce_sum3A_402 = arith.constant dense<0.000000e+00> : vector<512xf32>
    %reduce_sum3A_403 = vector.multi_reduction <add>, %mul3A_401, %reduce_sum3A_402 [1] : vector<512x32xf32> to vector<512xf32>
    %broadcast_in_dim3A_404 = vector.shape_cast %reduce_sum3A_403 : vector<512xf32> to vector<512x1xf32>
    %integer_pow3A = arith.mulf %broadcast_in_dim3A_404, %broadcast_in_dim3A_404 : vector<512x1xf32>
    %div3A_405 = arith.divf %integer_pow3A, %add3A_388 : vector<512x1xf32>
    %sub3A_406 = arith.subf %broadcast_in_dim3A_400, %div3A_405 : vector<512x1xf32>
    %div3A_407 = arith.divf %add3A_388, %add3A_385 : vector<512x1xf32>
    %log3A = math.log %div3A_407 : vector<512x1xf32>
    %sub3A_408 = arith.constant 3.200000e+01 : f32
    %sub3A_409 = vector.broadcast %sub3A_408 : f32 to vector<512x1xf32>
    %sub3A_410 = arith.subf %log3A, %sub3A_409 : vector<512x1xf32>
    %add3A_411 = arith.addf %sub3A_410, %sub3A_395 : vector<512x1xf32>
    %add3A_412 = arith.addf %add3A_411, %sub3A_406 : vector<512x1xf32>
    %mul3A_413 = arith.constant 5.000000e-01 : f32
    %mul3A_414 = vector.broadcast %mul3A_413 : f32 to vector<512x1xf32>
    %mul3A_415 = arith.mulf %mul3A_414, %add3A_412 : vector<512x1xf32>
    %broadcast_in_dim3A_416 = arith.constant 0.000000e+00 : f32
    %broadcast_in_dim3A_417 = vector.broadcast %broadcast_in_dim3A_416 : f32 to vector<512x2xf32>
    %concatenate3A = tpu.concatenate %max3A_93, %add3A_385, %add3A_388, %sub3A_395, %sub3A_406, %mul3A_415, %broadcast_in_dim3A_417 in 1 : vector<512x1xf32>, vector<512x1xf32>, vector<512x1xf32>, vector<512x1xf32>, vector<512x1xf32>, vector<512x1xf32>, vector<512x2xf32> -> vector<512x8xf32>
    %swap3A_418 = arith.constant 0 : index
    %swap3A_419 = arith.constant 0 : index
    %swap3A_420 = vector.load %arg52[%swap3A_418, %swap3A_419] : memref<512x8xf32, #tpu.memory_space<vmem>>, vector<512x8xf32>
    tpu.vector_store %arg52[%swap3A_418, %swap3A_419], %concatenate3A {strides = array<i32>} : memref<512x8xf32, #tpu.memory_space<vmem>>, vector<512x8xf32>,
    return
  }
  func.func @transform_0(%arg0: i32) -> (i32, i32) {
    %c0_i32 = arith.constant 0 : i32
    %c0_i32_0 = arith.constant 0 : i32
    return %arg0, %c0_i32 : i32, i32
  }
  func.func @transform_1(%arg0: i32) -> (i32, i32) {
    %c0_i32 = arith.constant 0 : i32
    %c0_i32_0 = arith.constant 0 : i32
    return %arg0, %c0_i32 : i32, i32
  }
  func.func @transform_2(%arg0: i32) -> (i32, i32) {
    %c0_i32 = arith.constant 0 : i32
    %c0_i32_0 = arith.constant 0 : i32
    return %arg0, %c0_i32 : i32, i32
  }
  func.func @transform_3(%arg0: i32) -> (i32, i32) {
    %c0_i32 = arith.constant 0 : i32
    %c0_i32_0 = arith.constant 0 : i32
    return %arg0, %c0_i32 : i32, i32
  }
  func.func @transform_4(%arg0: i32) -> (i32, i32, i32) {
    %c0_i32 = arith.constant 0 : i32
    %c0_i32_0 = arith.constant 0 : i32
    %c0_i32_1 = arith.constant 0 : i32
    return %c0_i32, %arg0, %c0_i32_0 : i32, i32, i32
  }
  func.func @transform_5(%arg0: i32) -> (i32, i32, i32) {
    %c0_i32 = arith.constant 0 : i32
    %c0_i32_0 = arith.constant 0 : i32
    %c0_i32_1 = arith.constant 0 : i32
    return %c0_i32, %arg0, %c0_i32_0 : i32, i32, i32
  }
  func.func @transform_6(%arg0: i32) -> (i32, i32) {
    %c0_i32 = arith.constant 0 : i32
    %c0_i32_0 = arith.constant 0 : i32
    %c0_i32_1 = arith.constant 0 : i32
    return %c0_i32, %c0_i32_0 : i32, i32
  }
  func.func @transform_7(%arg0: i32) -> (i32, i32) {
    %c0_i32 = arith.constant 0 : i32
    %c0_i32_0 = arith.constant 0 : i32
    %c0_i32_1 = arith.constant 0 : i32
    return %c0_i32, %c0_i32_0 : i32, i32
  }
  func.func @transform_8(%arg0: i32) -> (i32, i32) {
    %c0_i32 = arith.constant 0 : i32
    %c0_i32_0 = arith.constant 0 : i32
    %c0_i32_1 = arith.constant 0 : i32
    return %c0_i32, %c0_i32_0 : i32, i32
  }
  func.func @transform_9(%arg0: i32) -> (i32, i32) {
    %c0_i32 = arith.constant 0 : i32
    %c0_i32_0 = arith.constant 0 : i32
    %c0_i32_1 = arith.constant 0 : i32
    return %c0_i32, %c0_i32_0 : i32, i32
  }
  func.func @transform_10(%arg0: i32) -> (i32, i32) {
    %c0_i32 = arith.constant 0 : i32
    %c0_i32_0 = arith.constant 0 : i32
    %c0_i32_1 = arith.constant 0 : i32
    return %c0_i32, %c0_i32_0 : i32, i32
  }
  func.func @transform_11(%arg0: i32) -> (i32, i32) {
    %c0_i32 = arith.constant 0 : i32
    %c0_i32_0 = arith.constant 0 : i32
    %c0_i32_1 = arith.constant 0 : i32
    return %c0_i32, %c0_i32_0 : i32, i32
  }
  func.func @transform_12(%arg0: i32) -> (i32, i32) {
    %c0_i32 = arith.constant 0 : i32
    %c0_i32_0 = arith.constant 0 : i32
    %c0_i32_1 = arith.constant 0 : i32
    return %c0_i32, %c0_i32_0 : i32, i32
  }
  func.func @transform_13(%arg0: i32) -> (i32, i32) {
    %c0_i32 = arith.constant 0 : i32
    %c0_i32_0 = arith.constant 0 : i32
    %c0_i32_1 = arith.constant 0 : i32
    return %c0_i32, %c0_i32_0 : i32, i32
  }
  func.func @transform_14(%arg0: i32) -> (i32, i32) {
    %c0_i32 = arith.constant 0 : i32
    %c0_i32_0 = arith.constant 0 : i32
    %c0_i32_1 = arith.constant 0 : i32
    return %c0_i32, %c0_i32_0 : i32, i32
  }
  func.func @transform_15(%arg0: i32) -> (i32, i32) {
    %c0_i32 = arith.constant 0 : i32
    %c0_i32_0 = arith.constant 0 : i32
    %c0_i32_1 = arith.constant 0 : i32
    return %c0_i32, %c0_i32_0 : i32, i32
  }
  func.func @transform_16(%arg0: i32) -> (i32, i32) {
    %c0_i32 = arith.constant 0 : i32
    %c0_i32_0 = arith.constant 0 : i32
    %c0_i32_1 = arith.constant 0 : i32
    return %c0_i32, %c0_i32_0 : i32, i32
  }
  func.func @transform_17(%arg0: i32) -> (i32, i32) {
    %c0_i32 = arith.constant 0 : i32
    %c0_i32_0 = arith.constant 0 : i32
    %c0_i32_1 = arith.constant 0 : i32
    return %c0_i32, %c0_i32_0 : i32, i32
  }
  func.func @transform_18(%arg0: i32) -> (i32, i32) {
    %c0_i32 = arith.constant 0 : i32
    %c0_i32_0 = arith.constant 0 : i32
    %c0_i32_1 = arith.constant 0 : i32
    return %c0_i32, %c0_i32_0 : i32, i32
  }
  func.func @transform_19(%arg0: i32) -> (i32, i32) {
    %c0_i32 = arith.constant 0 : i32
    %c0_i32_0 = arith.constant 0 : i32
    %c0_i32_1 = arith.constant 0 : i32
    return %c0_i32, %c0_i32_0 : i32, i32
  }
  func.func @transform_20(%arg0: i32) -> (i32, i32) {
    %c0_i32 = arith.constant 0 : i32
    %c0_i32_0 = arith.constant 0 : i32
    %c0_i32_1 = arith.constant 0 : i32
    return %c0_i32, %c0_i32_0 : i32, i32
  }
  func.func @transform_21(%arg0: i32) -> (i32, i32) {
    %c0_i32 = arith.constant 0 : i32
    %c0_i32_0 = arith.constant 0 : i32
    %c0_i32_1 = arith.constant 0 : i32
    return %c0_i32, %c0_i32_0 : i32, i32
  }
  func.func @transform_22(%arg0: i32) -> (i32, i32) {
    %c0_i32 = arith.constant 0 : i32
    %c0_i32_0 = arith.constant 0 : i32
    %c0_i32_1 = arith.constant 0 : i32
    return %c0_i32, %c0_i32_0 : i32, i32
  }
  func.func @transform_23(%arg0: i32) -> (i32, i32) {
    %c0_i32 = arith.constant 0 : i32
    %c0_i32_0 = arith.constant 0 : i32
    %c0_i32_1 = arith.constant 0 : i32
    return %c0_i32, %c0_i32_0 : i32, i32
  }
  func.func @transform_24(%arg0: i32) -> (i32, i32) {
    %c0_i32 = arith.constant 0 : i32
    %c0_i32_0 = arith.constant 0 : i32
    %c0_i32_1 = arith.constant 0 : i32
    return %c0_i32, %c0_i32_0 : i32, i32
  }
  func.func @transform_25(%arg0: i32) -> (i32, i32) {
    %c0_i32 = arith.constant 0 : i32
    %c0_i32_0 = arith.constant 0 : i32
    %c0_i32_1 = arith.constant 0 : i32
    return %c0_i32, %c0_i32_0 : i32, i32
  }
  func.func @transform_26(%arg0: i32) -> (i32, i32) {
    %c0_i32 = arith.constant 0 : i32
    %c0_i32_0 = arith.constant 0 : i32
    %c0_i32_1 = arith.constant 0 : i32
    return %c0_i32, %c0_i32_0 : i32, i32
  }
  func.func @transform_27(%arg0: i32) -> (i32, i32) {
    %c0_i32 = arith.constant 0 : i32
    %c0_i32_0 = arith.constant 0 : i32
    %c0_i32_1 = arith.constant 0 : i32
    return %c0_i32, %c0_i32_0 : i32, i32
  }
  func.func @transform_28(%arg0: i32) -> (i32, i32) {
    %c0_i32 = arith.constant 0 : i32
    %c0_i32_0 = arith.constant 0 : i32
    %c0_i32_1 = arith.constant 0 : i32
    return %c0_i32, %c0_i32_0 : i32, i32
  }
  func.func @transform_29(%arg0: i32) -> (i32, i32) {
    %c0_i32 = arith.constant 0 : i32
    %c0_i32_0 = arith.constant 0 : i32
    %c0_i32_1 = arith.constant 0 : i32
    return %c0_i32, %c0_i32_0 : i32, i32
  }
  func.func @transform_30(%arg0: i32) -> (i32, i32) {
    %c0_i32 = arith.constant 0 : i32
    %c0_i32_0 = arith.constant 0 : i32
    %c0_i32_1 = arith.constant 0 : i32
    return %c0_i32, %c0_i32_0 : i32, i32
  }
  func.func @transform_31(%arg0: i32) -> (i32, i32) {
    %c0_i32 = arith.constant 0 : i32
    %c0_i32_0 = arith.constant 0 : i32
    %c0_i32_1 = arith.constant 0 : i32
    return %c0_i32, %c0_i32_0 : i32, i32
  }
  func.func @transform_32(%arg0: i32) -> (i32, i32) {
    %c0_i32 = arith.constant 0 : i32
    %c0_i32_0 = arith.constant 0 : i32
    %c0_i32_1 = arith.constant 0 : i32
    return %c0_i32, %c0_i32_0 : i32, i32
  }
  func.func @transform_33(%arg0: i32) -> (i32, i32) {
    %c0_i32 = arith.constant 0 : i32
    %c0_i32_0 = arith.constant 0 : i32
    %c0_i32_1 = arith.constant 0 : i32
    return %c0_i32, %c0_i32_0 : i32, i32
  }
  func.func @transform_34(%arg0: i32) -> (i32, i32) {
    %c0_i32 = arith.constant 0 : i32
    %c0_i32_0 = arith.constant 0 : i32
    %c0_i32_1 = arith.constant 0 : i32
    return %c0_i32, %c0_i32_0 : i32, i32
  }
  func.func @transform_35(%arg0: i32) -> (i32, i32) {
    %c0_i32 = arith.constant 0 : i32
    %c0_i32_0 = arith.constant 0 : i32
    %c0_i32_1 = arith.constant 0 : i32
    return %c0_i32, %c0_i32_0 : i32, i32
  }
  func.func @transform_36(%arg0: i32) -> (i32, i32) {
    %c0_i32 = arith.constant 0 : i32
    %c0_i32_0 = arith.constant 0 : i32
    %c0_i32_1 = arith.constant 0 : i32
    return %c0_i32, %c0_i32_0 : i32, i32
  }
  func.func @transform_37(%arg0: i32) -> (i32, i32) {
    %c0_i32 = arith.constant 0 : i32
    %c0_i32_0 = arith.constant 0 : i32
    %c0_i32_1 = arith.constant 0 : i32
    return %c0_i32, %c0_i32_0 : i32, i32
  }
  func.func @transform_38(%arg0: i32) -> (i32, i32) {
    %c0_i32 = arith.constant 0 : i32
    %c0_i32_0 = arith.constant 0 : i32
    %c0_i32_1 = arith.constant 0 : i32
    return %c0_i32, %c0_i32_0 : i32, i32
  }
  func.func @transform_39(%arg0: i32) -> (i32, i32) {
    %c0_i32 = arith.constant 0 : i32
    %c0_i32_0 = arith.constant 0 : i32
    %c0_i32_1 = arith.constant 0 : i32
    return %c0_i32, %c0_i32_0 : i32, i32
  }
  func.func @transform_40(%arg0: i32) -> (i32, i32) {
    %c0_i32 = arith.constant 0 : i32
    %c0_i32_0 = arith.constant 0 : i32
    %c0_i32_1 = arith.constant 0 : i32
    return %c0_i32, %c0_i32_0 : i32, i32
  }
  func.func @transform_41(%arg0: i32) -> (i32, i32) {
    %c0_i32 = arith.constant 0 : i32
    %c0_i32_0 = arith.constant 0 : i32
    %c0_i32_1 = arith.constant 0 : i32
    return %c0_i32, %c0_i32_0 : i32, i32
  }
  func.func @transform_42(%arg0: i32) -> (i32, i32) {
    %c0_i32 = arith.constant 0 : i32
    %c0_i32_0 = arith.constant 0 : i32
    %c0_i32_1 = arith.constant 0 : i32
    return %c0_i32, %c0_i32_0 : i32, i32
  }
  func.func @transform_43(%arg0: i32) -> (i32, i32) {
    %c0_i32 = arith.constant 0 : i32
    %c0_i32_0 = arith.constant 0 : i32
    %c0_i32_1 = arith.constant 0 : i32
    return %c0_i32, %c0_i32_0 : i32, i32
  }
  func.func @transform_44(%arg0: i32) -> (i32, i32) {
    %c0_i32 = arith.constant 0 : i32
    %c0_i32_0 = arith.constant 0 : i32
    %c0_i32_1 = arith.constant 0 : i32
    return %c0_i32, %c0_i32_0 : i32, i32
  }
  func.func @transform_45(%arg0: i32) -> (i32, i32) {
    %c0_i32 = arith.constant 0 : i32
    %c0_i32_0 = arith.constant 0 : i32
    %c0_i32_1 = arith.constant 0 : i32
    return %c0_i32, %c0_i32_0 : i32, i32
  }
  func.func @transform_46(%arg0: i32) -> (i32, i32) {
    %c0_i32 = arith.constant 0 : i32
    %c0_i32_0 = arith.constant 0 : i32
    %c0_i32_1 = arith.constant 0 : i32
    return %c0_i32, %c0_i32_0 : i32, i32
  }
  func.func @transform_47(%arg0: i32) -> (i32, i32) {
    %c0_i32 = arith.constant 0 : i32
    %c0_i32_0 = arith.constant 0 : i32
    %c0_i32_1 = arith.constant 0 : i32
    return %c0_i32, %c0_i32_0 : i32, i32
  }
  func.func @transform_48(%arg0: i32) -> (i32, i32) {
    %c0_i32 = arith.constant 0 : i32
    %c0_i32_0 = arith.constant 0 : i32
    %c0_i32_1 = arith.constant 0 : i32
    return %c0_i32, %c0_i32_0 : i32, i32
  }
  func.func @transform_49(%arg0: i32) -> (i32, i32) {
    %c0_i32 = arith.constant 0 : i32
    %c0_i32_0 = arith.constant 0 : i32
    %c0_i32_1 = arith.constant 0 : i32
    return %c0_i32, %c0_i32_0 : i32, i32
  }
  func.func @transform_50(%arg0: i32) -> (i32, i32) {
    %c0_i32 = arith.constant 0 : i32
    %c0_i32_0 = arith.constant 0 : i32
    return %arg0, %c0_i32 : i32, i32
  }
  func.func @transform_51(%arg0: i32) -> (i32, i32) {
    %c0_i32 = arith.constant 0 : i32
    %c0_i32_0 = arith.constant 0 : i32
    return %arg0, %c0_i32 : i32, i32
  }
  func.func @transform_52(%arg0: i32) -> (i32, i32) {
    %c0_i32 = arith.constant 0 : i32
    %c0_i32_0 = arith.constant 0 : i32
    return %arg0, %c0_i32 : i32, i32
  }
}

</mosaic_0001>

<sc_bundles>
// kernel: kernel.12.cloned.1.call-start
scs
__scs_entry_jumppad:
0x0: {  	(pc) =	sbr.rel $0x88, $3  }
0x1: {  	(tag) =	ssettag $0x0;
	lr =	simm.s32 $0x1  }
0x2: {  	[smem:$0x3F6D] =	sst lr;
	_ =	strace $0xD0000000  }
0x3: {  	_ = 	snop  }
0x4: {  	_ = 	snop  }
0x5: {  	_ = 	snop  }
0x6: {  	_ = 	snop  }
0x7: {  	_ = 	snop  }
__scs_overlays_trampoline_lowered:
0x8: {  	[smem:$0x3F7C] =	sst s0  }
0x9: {  	[smem:$0x3F7D] =	sst s1  }
0xa: {  	[smem:$0x3F7E] =	sst s2  }
0xb: {  	[smem:$0x3F7F] =	sst s3  }
0xc: {  	[smem:$0x3F80] =	sst s4  }
0xd: {  	[smem:$0x3F81] =	sst s5  }
0xe: {  	[smem:$0x3F82] =	sst s6  }
0xf: {  	[smem:$0x3F83] =	sst s7  }
0x10: {  	[smem:$0x3F84] =	sst s8  }
0x11: {  	[smem:$0x3F85] =	sst s9;
	s0 =	simm.s32 @!p0 $0x0  }
0x12: {  	s1 =	sld [smem:$0x3F6B];
	s0 =	simm.s32 @p0 $0x1  }
0x13: {  	[smem:$0x3F86] =	sst s0;
	s0 =	simm.s32 @!p1 $0x0  }
0x14: {  	s2 =	sld [smem:$0x3F6A];
	s0 =	simm.s32 @p1 $0x1  }
0x15: {  	[smem:$0x3F87] =	sst s0;
	s0 =	simm.s32 @!p2 $0x0  }
0x16: {  	s3 =	sld [smem:$0x3FDB];
	s0 =	simm.s32 @p2 $0x1  }
0x17: {  	s4 =	simm.s32 $0x1BF5;
	[smem:$0x3F89] =	sst s0  }
0x18: {  	s0 =	sld [smem:$0x3F6C];
	_ =	swait.ge [sflag:s4], $0x0  }
0x19: {  	s7 =	sld [smem:$0x3F6D]  }
0x1a: {  	s8 =	sadd.s32 $0xFFFFE003, lr  }
0x1b: {  	s9 =	sadd.s32 $0xFFFFFEF7, lr;
	s5 =	simm.s32 $0xFFFFFFFF;
	p2 =	slt.u32 s8, $0xFFFFF086  }
0x1c: {  	p1 =	slt.u32 s9, $0xF7A;
	s5 =	simm.s32 @!p2 $0x0  }
0x1d: {  	s5 =	simm.s32 @p1 $0x1;
	p0 =	seq.s32 s7, s2  }
0x1e: {  	s7 =	smul.u32 @!p0 $0xF7A, s2;
	p2 =	seq.s32 @!p0 s5, $0x0  }
0x1f: {  	s9 =	smul.u32 $0xF7A, s1;
	s8 =	simm.s32 @!p0 $0x1BF5;
	p2 =	por !p2, p0  }
0x20: {  	[sflag:s8] =	ssyncset.s32 @!p0 $0xFFFFF086;
	s6 =	sadd.s32 @!p0 s3, s7;
	s7 =	simm.s32 @!p0 $0x108  }
0x21: {  	s3 =	sadd.s32 s3, s9;
	s6 =	sadd.s32 @!p0 $0x88, s6;
	s7 =	simm.s32 @p2 $0x1082  }
0x22: {  	[simem:s7], [sflag:s8] =	dma.local @!p0 [hbm:s6], $0xF7A  }
0x23: {  	s9 =	sor.u32 $0xD0000000, s2;
	s6 =	simm.s32 $0x108;
	_ =	swait.ge @!p0 [sflag:s8], $0x0  }
0x24: {  	s3 =	sadd.s32 $0x88, s3;
	s6 =	simm.s32 @!p1 $0x1082;
	[sflag:s4] =	ssyncset.s32 $0xFFFFF086  }
0x25: {  	[simem:s6], [sflag:s4] =	dma.local [hbm:s3], $0xF7A  }
0x26: {  	[smem:$0x3F6D] =	sst s1;
	(tag) =	ssettag s2;
	_ =	strace s9  }
0x27: {  	s1 =	sld [smem:$0x3F7D]  }
0x28: {  	s2 =	sld [smem:$0x3F7E]  }
0x29: {  	s4 =	sld [smem:$0x3F80]  }
0x2a: {  	p0 =	seq.s32 s5, $0x0;
	s5 =	sld [smem:$0x3F81]  }
0x2b: {  	s6 =	sld [smem:$0x3F82]  }
0x2c: {  	s7 =	sld [smem:$0x3F83]  }
0x2d: {  	s3 =	simm.s32 $0x108;
	s8 =	sld [smem:$0x3F84]  }
0x2e: {  	s3 =	simm.s32 @!p0 $0x1082;
	s9 =	sld [smem:$0x3F85]  }
0x2f: {  	lr =	sadd.s32 s0, s3;
	s0 =	sld [smem:$0x3F7C]  }
0x30: {  	s3 =	sld [smem:$0x3F7F]  }
0x31: {  	[smem:$0x3F88] =	sst s10  }
0x32: {  	s10 =	sld [smem:$0x3F86];
	_ =	sdelay $0x3  }
0x33: {  	p0 =	seq.s32 s10, $0x1;
	s10 =	sld [smem:$0x3F88];
	_ =	sdelay $0x3  }
0x34: {  	[smem:$0x3F88] =	sst s10  }
0x35: {  	s10 =	sld [smem:$0x3F87];
	_ =	sdelay $0x3  }
0x36: {  	p1 =	seq.s32 s10, $0x1;
	s10 =	sld [smem:$0x3F88];
	_ =	sdelay $0x3  }
0x37: {  	[smem:$0x3F88] =	sst s10  }
0x38: {  	s10 =	sld [smem:$0x3F89]  }
0x39: {  	_ = 	snop;
	(pc) =	sbr.ind lr, $3  }
0x3a: {  	_ = 	snop  }
0x3b: {  	_ = 	snop  }
0x3c: {  	p2 =	seq.s32 s10, $0x1;
	s10 =	sld [smem:$0x3F88]  }
0x3d: {  	_ =	shalt  }
0x3e: {  	_ =	shalt  }
0x3f: {  	_ =	shalt  }
0x40: {  	_ =	shalt  }
0x41: {  	_ =	shalt  }
0x42: {  	_ =	shalt  }
0x43: {  	_ =	shalt  }
0x44: {  	_ =	shalt  }
0x45: {  	_ =	shalt  }
0x46: {  	_ =	shalt  }
0x47: {  	_ =	shalt  }
0x48: {  	_ =	shalt  }
0x49: {  	_ =	shalt  }
0x4a: {  	_ =	shalt  }
0x4b: {  	_ =	shalt  }
0x4c: {  	_ =	shalt  }
0x4d: {  	_ =	shalt  }
0x4e: {  	_ =	shalt  }
0x4f: {  	_ =	shalt  }
0x50: {  	_ =	shalt  }
0x51: {  	_ =	shalt  }
0x52: {  	_ =	shalt  }
0x53: {  	_ =	shalt  }
0x54: {  	_ =	shalt  }
0x55: {  	_ =	shalt  }
0x56: {  	_ =	shalt  }
0x57: {  	_ =	shalt  }
0x58: {  	_ =	shalt  }
0x59: {  	_ =	shalt  }
0x5a: {  	_ =	shalt  }
0x5b: {  	_ =	shalt  }
0x5c: {  	_ =	shalt  }
0x5d: {  	_ =	shalt  }
0x5e: {  	_ =	shalt  }
0x5f: {  	_ =	shalt  }
0x60: {  	_ =	shalt  }
0x61: {  	_ =	shalt  }
0x62: {  	_ =	shalt  }
0x63: {  	_ =	shalt  }
0x64: {  	_ =	shalt  }
0x65: {  	_ =	shalt  }
0x66: {  	_ =	shalt  }
0x67: {  	_ =	shalt  }
0x68: {  	_ =	shalt  }
0x69: {  	_ =	shalt  }
0x6a: {  	_ =	shalt  }
0x6b: {  	_ =	shalt  }
0x6c: {  	_ =	shalt  }
0x6d: {  	_ =	shalt  }
0x6e: {  	_ =	shalt  }
0x6f: {  	_ =	shalt  }
0x70: {  	_ =	shalt  }
0x71: {  	_ =	shalt  }
0x72: {  	_ =	shalt  }
0x73: {  	_ =	shalt  }
0x74: {  	_ =	shalt  }
0x75: {  	_ =	shalt  }
0x76: {  	_ =	shalt  }
0x77: {  	_ =	shalt  }
0x78: {  	_ =	shalt  }
0x79: {  	_ =	shalt  }
0x7a: {  	_ =	shalt  }
0x7b: {  	_ =	shalt  }
0x7c: {  	_ =	shalt  }
0x7d: {  	_ =	shalt  }
0x7e: {  	_ =	shalt  }
0x7f: {  	_ =	shalt  }
0x80: {  	_ =	shalt  }
0x81: {  	_ =	shalt  }
0x82: {  	_ =	shalt  }
0x83: {  	_ =	shalt  }
0x84: {  	_ =	shalt  }
0x85: {  	_ =	shalt  }
0x86: {  	_ =	shalt  }
0x87: {  	_ =	shalt  }
.Lfunc_end0:
.L_simem_size_0:
called_computation.1_lowered:
.L_overlay_start_0:
0x88: {  	s2 =	sld [smem:$0x3FD9]  }
0x89: {  	s3 =	sld [smem:$0x3FFE];
	_ =	sdelay $0x1  }
0x8a: {  	s1 =	srdreg.scid  }
0x8b: {  	s0 =	sand.u32 $0x1, s1  }
0x8c: {  	s14 =	sshll.u32 s0, $0xA;
	s2 =	sadd.s32 s3, s2  }
0x8d: {  	s2 =	sadd.s32 s2, s14  }
0x8e: {  	[smem:$0x3F94] =	sst s2  }
0x8f: {  	_ = 	snop  }
0x90: {  	s2 =	sld [smem:$0x3FD0];
	_ =	sdelay $0x2  }
0x91: {  	s15 =	simm.s32 $0xA;
	s4 =	simm.s32 $0x10  }
0x92: {  	[smem:s4], [sflag:s15] =	dma.local [hbm:s2], $0x1  }
0x93: {  	_ =	swait.eq [sflag:s15], $0x1  }
0x94: {  	[sflag:s15] =	ssyncset.done $0x0  }
0x95: {  	[sflag:s15] =	ssyncadd.s32 $0xFFFFFFFF  }
0x96: {  	s16 =	sld [smem:$0x13];
	(tm) =	ssettm $0x1  }
0x97: {  	s17 =	sld [smem:$0x3FFB];
	_ =	sdelay $0x3  }
0x98: {  	_ =	strace s17  }
0x99: {  	s3 =	sld [smem:$0x3FFC];
	_ =	sdelay $0x3  }
0x9a: {  	_ =	strace s3  }
0x9b: {  	s3 =	sld [smem:$0x3FFD];
	_ =	sdelay $0x3  }
0x9c: {  	_ =	strace s3  }
0x9d: {  	_ =	strace $0x8FFFFFFF  }
0x9e: {  	s18 =	sld [smem:$0x3FDB];
	_ =	sdelay $0x1  }
0x9f: {  	s19 =	simm.s32 $_scs_section_size  }
0xa0: {  	s5 =	simm.s32 $_size__tile_overlayer_lowered;
	s6 =	simm.s32 $_tile_overlayer_lowered  }
0xa1: {  	s22 =	simm.s32 $0x1BFF;
	s21 =	sshll.u32 s6, $0x1;
	s3 =	sadd.s32 s19, s18  }
0xa2: {  	s7 =	simm.s32 $0x0;
	s20 =	sshll.u32 s5, $0x1;
	s5 =	sadd.s32 s21, s3  }
0xa3: {  	[timem:s7], [sflag:s22] =	dma.local [hbm:s5], s20  }
0xa4: {  	_ =	swait.ge [sflag:s22], s20  }
0xa5: {  	s4 =	ssub.s32 $0x0, s20;
	[sflag:s22] =	ssyncset.done $0x0  }
0xa6: {  	[sflag:s22] =	ssyncadd.s32 s4;
	_ =	sdelay $0x1  }
0xa7: {  	s23 =	simm.s32 $0x1B8B  }
0xa8: {  	_ =	swait.ge [sflag:s23], $0x1  }
0xa9: {  	[sflag:s23] =	ssyncset.done $0x0  }
0xaa: {  	s25 =	simm.s32 $0x1B8E;
	s24 =	sld [smem:$0x3FFE];
	[sflag:s23] =	ssyncadd.s32 $0xFFFFFFFF  }
0xab: {  	s26 =	simm.s32 $execute0_lowered;
	[smem:$0x3FD2] =	sst s25  }
0xac: {  	s5 =	sshll.u32 s26, $0x1;
	_ =	strace $0x80000049;
	[dreg:$0x1] =	wrdreg $0xFFFFFFFF  }
0xad: {  	s28 =	simm.s32 $_size_execute0_lowered;
	s3 =	sadd.s32 s3, s5;
	[dreg:$0x0] =	wrdreg $0x0  }
0xae: {  	s5 =	sshll.u32 s28, $0x1;
	[dreg:$0x2] =	wrdreg s3  }
0xaf: {  	[dreg:$0x3] =	wrdreg s5  }
0xb0: {  	[dreg:$0x4] =	wrdreg $0xC0  }
0xb1: {  	_ =	task [dreg:s7], $0x5FFFF  }
0xb2: {  	[dreg:$0x1] =	wrdreg $0xFFFFFFFF  }
0xb3: {  	[dreg:$0x0] =	wrdreg $0x60  }
0xb4: {  	[dreg:$0x2] =	wrdreg s24  }
0xb5: {  	[dreg:$0x3] =	wrdreg s16  }
0xb6: {  	[dreg:$0x4] =	wrdreg $0x70000  }
0xb7: {  	[dreg:$0x5] =	wrdreg $0x9  }
0xb8: {  	_ =	task.clear_ibuf [dreg:s7], $0x6FFFF;
	_ =	strace $0x90000049  }
0xb9: {  	s29 =	simm.s32 $0x9;
	_ =	strace $0x8000004B  }
0xba: {  	_ =	swait.ge [sflag:s29], $0x1  }
0xbb: {  	[sflag:s29] =	ssyncadd.s32 $0xFFFFFFFF  }
0xbc: {  	_ =	strace $0x9000004B  }
0xbd: {  	_ =	sfence  }
0xbe: {  	s30 =	sld [smem:$0x0];
	_ =	sdelay $0x2  }
0xbf: {  	s31 =	sshll.u32 s1, $0xD;
	s1 =	sshrl.u32 s1, $0x2  }
0xc0: {  	s3 =	sand.u32 $0x4000, s31;
	s1 =	sadd.s32 s1, s30  }
0xc1: {  	s0 =	sor.u32 s3, s0;
	s1 =	sshll.u32 s1, $0x11  }
0xc2: {  	s0 =	sor.u32 s1, s0  }
0xc3: {  	s0 =	sadd.s32 $0x8F2B, s0  }
0xc4: {  	[sflag:s0] =	ssyncadd.remote.s32 $0x1  }
0xc5: {  	_ =	sfence.sel $0xFFFF  }
0xc6: {  	[dreg:$0x0] =	wrdreg $0xFFFFFFFF;
	(pc) =	sbr.abs _section_cstart, $3  }
0xc7: {  	[dreg:$0x1] =	wrdreg $0xFFFFFFFF  }
0xc8: {  	_ =	task.clear_ibuf [dreg:s7], $0x2FFFF;
	_ =	strace $0x9FFFFFFF  }
0xc9: {  	(tm) =	ssettm $0x7FFFFFFF  }
tec
execute0_lowered:
.L_overlay_start_1:
0x0: {  	(tag) =	ssettag $0x1  }
0x1: {  	s5 =	rddreg [dreg:$0x0]  }
0x2: {  	s0 =	srdreg.scid;
	s9 =	rddreg [dreg:$0x1]  }
0x3: {  	s2 =	rddreg [dreg:$0x2];
	s1 =	stileid.u32  }
0x4: {  	s3 =	simm.s32 $0x0;
	s14 =	simm.s32 $0x80;
	s15 =	simm.s32 $0x5000  }
0x5: {  	s16 =	simm.s32 $0x1;
	s17 =	simm.s32 $0x6000;
	s18 =	simm.s32 $0x2  }
0x6: {  	s19 =	simm.s32 $0x2780;
	s20 =	simm.s32 $0x4F00;
	s21 =	simm.s32 $0x4F80  }
0x7: {  	s22 =	simm.s32 $0x0;
	s6 =	sand.u32 $0x1, s0;
	s0 =	rddreg [dreg:$0x3]  }
0x8: {  	[smem:$0x7FF] =	sst s3;
	s8 =	smul.u32 $0x5000, s1;
	s31 =	sshll.u32 s1, $0x6  }
0x9: {  	s4 =	sshll.u32 s6, $0x4;
	_ =	strace $0x8000004A;
	s28 =	ssub.s32 $0x2, s6  }
0xa: {  	s6 =	smul.u32 $0x50000, s6;
	s4 =	sor.u32 s1, s4;
	s11 =	sshrl.u32 s8, $0x3  }
0xb: {  	s12 =	sshrl.u32 s28, $0x1;
	s30 =	sadd.s32 s8, s2;
	s7 =	smul.u32 $0x500, s4  }
0xc: {  	s4 =	sadd.s32 $0x91800, s5;
	s29 =	ssub.s32 s28, s12;
	s8 =	sadd.s32 s8, s6  }
0xd: {  	s6 =	sor.u32 $0x1C03, s31;
	s12 =	simm.s32 $0x3;
	s13 =	sshrl.u32 s8, $0x3  }
0xe: {  	s10 =	sadd.s32 s7, s5;
	s5 =	sadd.s32 s11, s5;
	s9 =	sadd.s32 s9, s13  }
0xf: {  	s11 =	sshrl.u32 s30, $0x3;
	s13 =	simm.s32 $0x2800;
	s5 =	sadd.s32 $0x9B800, s5  }
0x10: {  	s7 =	sadd.s32 $0xF800, s10;
	s8 =	sadd.s32 $0x5800, s10;
	s10 =	smax.u32 s29, $0x1  }
.LBB2_1:
0x11: {  	[spmem:s11], [sflag:s6] =	dma.local [hbm:s5], $0xA00  }
0x12: {  	_ =	swait.ge [sflag:s12], $0xA00  }
0x13: {  	[sflag:s12] =	ssyncset.done $0x0  }
0x14: {  	[sflag:s12] =	ssyncadd.s32 $0xFFFFF600  }
0x15: {  	[tilespmem:s3], [sflag:$0x3] =	stream.linear.gather [hbm4b:s7+s3], $0x2800, $0x38;
	[tilespmem:$0xC000] =	vst v63  }
0x16: {  	_ =	swait.ge [sflag:s12], $0x2800  }
0x17: {  	[sflag:s12] =	ssyncset.done $0x0  }
0x18: {  	[sflag:s12] =	ssyncadd.s32 $0xFFFFD800  }
0x19: {  	[tilespmem:s13], [sflag:$0x3] =	stream.linear.gather [hbm4b:s8+s3], $0x2800, $0x38;
	[tilespmem:$0xC000] =	vst v63  }
0x1a: {  	_ =	swait.ge [sflag:s12], $0x2800  }
0x1b: {  	[sflag:s12] =	ssyncset.done $0x0  }
0x1c: {  	[sflag:s12] =	ssyncadd.s32 $0xFFFFD800  }
0x1d: {  	[bflag:$0x0] =	sbarrier.arrive $0xFFFF  }
0x1e: {  	[tilespmem:s15], [sflag:$0x1] =	stream.indirect.gather [hbm4b:s4+s14], $0x20, s3, s14, $0xb8;
	[tilespmem:$0xC000] =	vst v63  }
0x1f: {  	_ =	swait.ge [sflag:s16], $0x1000  }
0x20: {  	[sflag:s16] =	ssyncset.done $0x0  }
0x21: {  	s23 =	simm.s32 $0x80;
	[sflag:s16] =	ssyncadd.s32 $0xFFFFF000  }
0x22: {  	[tilespmem:s17], [sflag:$0x2] =	stream.indirect.gather [hbm4b:s4+s14], $0x20, s23, s14, $0xb8;
	[tilespmem:$0xC000] =	vst v63  }
0x23: {  	s29 =	simm.s32 $0x2800  }
0x24: {  	[spmem:s2] =	stream.indirect.scatter.add.f32 [tilespmem:s15], [sflag:$0x3], $0x20, s29, s14, $0xb8;
	[tilespmem:$0xC000] =	vst v63  }
0x25: {  	_ =	swait.ge [sflag:s12], $0x1000  }
0x26: {  	[sflag:s12] =	ssyncset.done $0x0  }
0x27: {  	[sflag:s12] =	ssyncadd.s32 $0xFFFFF000  }
0x28: {  	_ =	swait.ge [sflag:s18], $0x1000  }
0x29: {  	[sflag:s18] =	ssyncset.done $0x0  }
0x2a: {  	s30 =	simm.s32 $0x100;
	[sflag:s18] =	ssyncadd.s32 $0xFFFFF000  }
0x2b: {  	[tilespmem:s15], [sflag:$0x1] =	stream.indirect.gather [hbm4b:s4+s14], $0x20, s30, s14, $0xb8;
	[tilespmem:$0xC000] =	vst v63  }
0x2c: {  	s31 =	simm.s32 $0x2880  }
0x2d: {  	[spmem:s2] =	stream.indirect.scatter.add.f32 [tilespmem:s17], [sflag:$0x3], $0x20, s31, s14, $0xb8;
	[tilespmem:$0xC000] =	vst v63  }
0x2e: {  	_ =	swait.ge [sflag:s12], $0x1000  }
0x2f: {  	s23 =	simm.s32 $0x400;
	[sflag:s12] =	ssyncset.done $0x0  }
.LBB2_2:
0x30: {  	p0 =	sne.s32 s23, $0x9800  }
0x31: {  	[sflag:s12] =	ssyncadd.s32 $0xFFFFF000;
	s24 =	smov.u32 s23;
	s23 =	sadd.s32 $0x400, s23  }
0x32: {  	_ = 	snop  }
0x33: {  	_ =	swait.ge [sflag:s16], $0x1000  }
0x34: {  	s24 =	sshra.s32 s24, $0x2;
	[sflag:s16] =	ssyncset.done $0x0  }
0x35: {  	s25 =	sadd.s32 $0x80, s24;
	[sflag:s16] =	ssyncadd.s32 $0xFFFFF000  }
0x36: {  	[tilespmem:s17], [sflag:$0x2] =	stream.indirect.gather [hbm4b:s4+s14], $0x20, s25, s14, $0xb8;
	[tilespmem:$0xC000] =	vst v63  }
0x37: {  	s25 =	sadd.s32 $0x2800, s24  }
0x38: {  	[spmem:s2] =	stream.indirect.scatter.add.f32 [tilespmem:s15], [sflag:$0x3], $0x20, s25, s14, $0xb8;
	[tilespmem:$0xC000] =	vst v63  }
0x39: {  	_ =	swait.ge [sflag:s12], $0x1000  }
0x3a: {  	[sflag:s12] =	ssyncset.done $0x0  }
0x3b: {  	[sflag:s12] =	ssyncadd.s32 $0xFFFFF000  }
0x3c: {  	_ =	swait.ge [sflag:s18], $0x1000  }
0x3d: {  	[sflag:s18] =	ssyncset.done $0x0  }
0x3e: {  	s25 =	sadd.s32 $0x100, s24;
	[sflag:s18] =	ssyncadd.s32 $0xFFFFF000  }
0x3f: {  	[tilespmem:s15], [sflag:$0x1] =	stream.indirect.gather [hbm4b:s4+s14], $0x20, s25, s14, $0xb8;
	[tilespmem:$0xC000] =	vst v63  }
.Ltmp0:
0x40: {  	_ = 	snop;
	(pc) =	sbr.rel @p0 .LBB2_2-.Ltmp0, $4  }
0x41: {  	s24 =	sadd.s32 $0x2880, s24  }
0x42: {  	[spmem:s2] =	stream.indirect.scatter.add.f32 [tilespmem:s17], [sflag:$0x3], $0x20, s24, s14, $0xb8;
	[tilespmem:$0xC000] =	vst v63  }
0x43: {  	_ =	swait.ge [sflag:s12], $0x1000  }
0x44: {  	[sflag:s12] =	ssyncset.done $0x0  }
0x45: {  	[sflag:s12] =	ssyncadd.s32 $0xFFFFF000  }
0x46: {  	_ =	swait.ge [sflag:s16], $0x1000  }
0x47: {  	[sflag:s16] =	ssyncset.done $0x0  }
0x48: {  	[sflag:s16] =	ssyncadd.s32 $0xFFFFF000  }
0x49: {  	[tilespmem:s17], [sflag:$0x2] =	stream.indirect.gather [hbm4b:s4+s14], $0x20, s19, s14, $0xb8;
	[tilespmem:$0xC000] =	vst v63  }
0x4a: {  	_ = 	snop  }
0x4b: {  	[spmem:s2] =	stream.indirect.scatter.add.f32 [tilespmem:s15], [sflag:$0x3], $0x20, s20, s14, $0xb8;
	[tilespmem:$0xC000] =	vst v63  }
0x4c: {  	_ =	swait.ge [sflag:s12], $0x1000  }
0x4d: {  	[sflag:s12] =	ssyncset.done $0x0  }
0x4e: {  	[sflag:s12] =	ssyncadd.s32 $0xFFFFF000  }
0x4f: {  	_ =	swait.ge [sflag:s18], $0x1000  }
0x50: {  	[sflag:s18] =	ssyncset.done $0x0  }
0x51: {  	[sflag:s18] =	ssyncadd.s32 $0xFFFFF000  }
0x52: {  	[tilespmem:s15], [sflag:$0x1] =	stream.indirect.gather [hbm4b:s4+s14], $0x20, s19, s14, $0xb8;
	[tilespmem:$0xC000] =	vst v63  }
0x53: {  	_ = 	snop  }
0x54: {  	[spmem:s2] =	stream.indirect.scatter.add.f32 [tilespmem:s17], [sflag:$0x3], $0x20, s21, s14, $0xb8;
	[tilespmem:$0xC000] =	vst v63  }
0x55: {  	_ =	swait.ge [sflag:s12], $0x1000  }
0x56: {  	[sflag:s12] =	ssyncset.done $0x0  }
0x57: {  	[sflag:s12] =	ssyncadd.s32 $0xFFFFF000  }
0x58: {  	_ =	swait.ge [sflag:s16], $0x1000  }
0x59: {  	s22 =	sadd.s32 $0x1, s22;
	[sflag:s16] =	ssyncset.done $0x0  }
0x5a: {  	p0 =	sne.s32 s22, s10;
	[sflag:s16] =	ssyncadd.s32 $0xFFFFF000  }
.Ltmp1:
0x5b: {  	[bflag:$0x0] =	sbarrier.arrive $0xFFFF;
	(pc) =	sbr.rel @p0 .LBB2_1-.Ltmp1, $4  }
0x5c: {  	[hbm:s9], [sflag:s6] =	dma.local [spmem:s11], $0xA00  }
0x5d: {  	_ =	swait.ge [sflag:s12], $0xA00  }
0x5e: {  	[sflag:s12] =	ssyncset.done $0x0  }
0x5f: {  	[sflag:s12] =	ssyncadd.s32 $0xFFFFF600  }
0x60: {  	_ =	sfence.sel $0x180000  }
0x61: {  	[bflag:$0x0] =	sbarrier.arrive $0xFFFF  }
0x62: {  	p0 =	sne.s32 s1, $0x0;
	_ =	strace $0x9000004A  }
0x63: {  	s0 =	sadd.s32 @!p0 $0x100000, s0;
	[bflag:$0x2] =	sbarrier.arrive $0xFFFF  }
0x64: {  	[sflag:s0] =	ssyncadd.tile.s32 @!p0 $0x1;
	_ =	shalt  }
.Lfunc_end2:
_tile_overlayer_lowered:
.L_overlay_start_2:
0x65: {  	(tag) =	ssettag $0x2  }
0x66: {  	s0 =	rddreg [dreg:$0x0];
	s2 =	stileid.u32  }
0x67: {  	s1 =	rddreg [dreg:$0x1];
	p0 =	sne.s32 s2, $0x0  }
0x68: {  	s3 =	rddreg [dreg:$0x2];
	[bflag:$0x3] =	sbarrier.arrive $0xFFFF;
	s2 =	simm.s32 @!p0 $0x1C03  }
0x69: {  	[timem:s3], [sflag:s2] =	dma.local @!p0 [hbm:s0], s1  }
0x6a: {  	s0 =	simm.s32 @!p0 $0x3  }
0x6b: {  	_ =	swait.ge @!p0 [sflag:s0], s1  }
0x6c: {  	s1 =	ssub.s32 @!p0 $0x0, s1;
	[sflag:s0] =	ssyncset.done @!p0 $0x0  }
0x6d: {  	[sflag:s0] =	ssyncadd.s32 @!p0 s1  }
0x6e: {  	[bflag:$0x3] =	sbarrier.arrive $0xFFFF  }
0x6f: {  	_ =	shalt  }

// kernel: kernel.9.cloned.1.call-start
scs
__scs_entry_jumppad:
0x0: {  	(pc) =	sbr.rel $0x88, $3  }
0x1: {  	(tag) =	ssettag $0x0;
	lr =	simm.s32 $0x1  }
0x2: {  	[smem:$0x3F6D] =	sst lr;
	_ =	strace $0xD0000000  }
0x3: {  	_ = 	snop  }
0x4: {  	_ = 	snop  }
0x5: {  	_ = 	snop  }
0x6: {  	_ = 	snop  }
0x7: {  	_ = 	snop  }
__scs_overlays_trampoline_lowered:
0x8: {  	[smem:$0x3F7C] =	sst s0  }
0x9: {  	[smem:$0x3F7D] =	sst s1  }
0xa: {  	[smem:$0x3F7E] =	sst s2  }
0xb: {  	[smem:$0x3F7F] =	sst s3  }
0xc: {  	[smem:$0x3F80] =	sst s4  }
0xd: {  	[smem:$0x3F81] =	sst s5  }
0xe: {  	[smem:$0x3F82] =	sst s6  }
0xf: {  	[smem:$0x3F83] =	sst s7  }
0x10: {  	[smem:$0x3F84] =	sst s8  }
0x11: {  	[smem:$0x3F85] =	sst s9;
	s0 =	simm.s32 @!p0 $0x0  }
0x12: {  	s1 =	sld [smem:$0x3F6B];
	s0 =	simm.s32 @p0 $0x1  }
0x13: {  	[smem:$0x3F86] =	sst s0;
	s0 =	simm.s32 @!p1 $0x0  }
0x14: {  	s2 =	sld [smem:$0x3F6A];
	s0 =	simm.s32 @p1 $0x1  }
0x15: {  	[smem:$0x3F87] =	sst s0;
	s0 =	simm.s32 @!p2 $0x0  }
0x16: {  	s3 =	sld [smem:$0x3FDB];
	s0 =	simm.s32 @p2 $0x1  }
0x17: {  	s4 =	simm.s32 $0x1BF5;
	[smem:$0x3F89] =	sst s0  }
0x18: {  	s0 =	sld [smem:$0x3F6C];
	_ =	swait.ge [sflag:s4], $0x0  }
0x19: {  	s7 =	sld [smem:$0x3F6D]  }
0x1a: {  	s8 =	sadd.s32 $0xFFFFE003, lr  }
0x1b: {  	s9 =	sadd.s32 $0xFFFFFEF7, lr;
	s5 =	simm.s32 $0xFFFFFFFF;
	p2 =	slt.u32 s8, $0xFFFFF086  }
0x1c: {  	p1 =	slt.u32 s9, $0xF7A;
	s5 =	simm.s32 @!p2 $0x0  }
0x1d: {  	s5 =	simm.s32 @p1 $0x1;
	p0 =	seq.s32 s7, s2  }
0x1e: {  	s7 =	smul.u32 @!p0 $0xF7A, s2;
	p2 =	seq.s32 @!p0 s5, $0x0  }
0x1f: {  	s9 =	smul.u32 $0xF7A, s1;
	s8 =	simm.s32 @!p0 $0x1BF5;
	p2 =	por !p2, p0  }
0x20: {  	[sflag:s8] =	ssyncset.s32 @!p0 $0xFFFFF086;
	s6 =	sadd.s32 @!p0 s3, s7;
	s7 =	simm.s32 @!p0 $0x108  }
0x21: {  	s3 =	sadd.s32 s3, s9;
	s6 =	sadd.s32 @!p0 $0x88, s6;
	s7 =	simm.s32 @p2 $0x1082  }
0x22: {  	[simem:s7], [sflag:s8] =	dma.local @!p0 [hbm:s6], $0xF7A  }
0x23: {  	s9 =	sor.u32 $0xD0000000, s2;
	s6 =	simm.s32 $0x108;
	_ =	swait.ge @!p0 [sflag:s8], $0x0  }
0x24: {  	s3 =	sadd.s32 $0x88, s3;
	s6 =	simm.s32 @!p1 $0x1082;
	[sflag:s4] =	ssyncset.s32 $0xFFFFF086  }
0x25: {  	[simem:s6], [sflag:s4] =	dma.local [hbm:s3], $0xF7A  }
0x26: {  	[smem:$0x3F6D] =	sst s1;
	(tag) =	ssettag s2;
	_ =	strace s9  }
0x27: {  	s1 =	sld [smem:$0x3F7D]  }
0x28: {  	s2 =	sld [smem:$0x3F7E]  }
0x29: {  	s4 =	sld [smem:$0x3F80]  }
0x2a: {  	p0 =	seq.s32 s5, $0x0;
	s5 =	sld [smem:$0x3F81]  }
0x2b: {  	s6 =	sld [smem:$0x3F82]  }
0x2c: {  	s7 =	sld [smem:$0x3F83]  }
0x2d: {  	s3 =	simm.s32 $0x108;
	s8 =	sld [smem:$0x3F84]  }
0x2e: {  	s3 =	simm.s32 @!p0 $0x1082;
	s9 =	sld [smem:$0x3F85]  }
0x2f: {  	lr =	sadd.s32 s0, s3;
	s0 =	sld [smem:$0x3F7C]  }
0x30: {  	s3 =	sld [smem:$0x3F7F]  }
0x31: {  	[smem:$0x3F88] =	sst s10  }
0x32: {  	s10 =	sld [smem:$0x3F86];
	_ =	sdelay $0x3  }
0x33: {  	p0 =	seq.s32 s10, $0x1;
	s10 =	sld [smem:$0x3F88];
	_ =	sdelay $0x3  }
0x34: {  	[smem:$0x3F88] =	sst s10  }
0x35: {  	s10 =	sld [smem:$0x3F87];
	_ =	sdelay $0x3  }
0x36: {  	p1 =	seq.s32 s10, $0x1;
	s10 =	sld [smem:$0x3F88];
	_ =	sdelay $0x3  }
0x37: {  	[smem:$0x3F88] =	sst s10  }
0x38: {  	s10 =	sld [smem:$0x3F89]  }
0x39: {  	_ = 	snop;
	(pc) =	sbr.ind lr, $3  }
0x3a: {  	_ = 	snop  }
0x3b: {  	_ = 	snop  }
0x3c: {  	p2 =	seq.s32 s10, $0x1;
	s10 =	sld [smem:$0x3F88]  }
0x3d: {  	_ =	shalt  }
0x3e: {  	_ =	shalt  }
0x3f: {  	_ =	shalt  }
0x40: {  	_ =	shalt  }
0x41: {  	_ =	shalt  }
0x42: {  	_ =	shalt  }
0x43: {  	_ =	shalt  }
0x44: {  	_ =	shalt  }
0x45: {  	_ =	shalt  }
0x46: {  	_ =	shalt  }
0x47: {  	_ =	shalt  }
0x48: {  	_ =	shalt  }
0x49: {  	_ =	shalt  }
0x4a: {  	_ =	shalt  }
0x4b: {  	_ =	shalt  }
0x4c: {  	_ =	shalt  }
0x4d: {  	_ =	shalt  }
0x4e: {  	_ =	shalt  }
0x4f: {  	_ =	shalt  }
0x50: {  	_ =	shalt  }
0x51: {  	_ =	shalt  }
0x52: {  	_ =	shalt  }
0x53: {  	_ =	shalt  }
0x54: {  	_ =	shalt  }
0x55: {  	_ =	shalt  }
0x56: {  	_ =	shalt  }
0x57: {  	_ =	shalt  }
0x58: {  	_ =	shalt  }
0x59: {  	_ =	shalt  }
0x5a: {  	_ =	shalt  }
0x5b: {  	_ =	shalt  }
0x5c: {  	_ =	shalt  }
0x5d: {  	_ =	shalt  }
0x5e: {  	_ =	shalt  }
0x5f: {  	_ =	shalt  }
0x60: {  	_ =	shalt  }
0x61: {  	_ =	shalt  }
0x62: {  	_ =	shalt  }
0x63: {  	_ =	shalt  }
0x64: {  	_ =	shalt  }
0x65: {  	_ =	shalt  }
0x66: {  	_ =	shalt  }
0x67: {  	_ =	shalt  }
0x68: {  	_ =	shalt  }
0x69: {  	_ =	shalt  }
0x6a: {  	_ =	shalt  }
0x6b: {  	_ =	shalt  }
0x6c: {  	_ =	shalt  }
0x6d: {  	_ =	shalt  }
0x6e: {  	_ =	shalt  }
0x6f: {  	_ =	shalt  }
0x70: {  	_ =	shalt  }
0x71: {  	_ =	shalt  }
0x72: {  	_ =	shalt  }
0x73: {  	_ =	shalt  }
0x74: {  	_ =	shalt  }
0x75: {  	_ =	shalt  }
0x76: {  	_ =	shalt  }
0x77: {  	_ =	shalt  }
0x78: {  	_ =	shalt  }
0x79: {  	_ =	shalt  }
0x7a: {  	_ =	shalt  }
0x7b: {  	_ =	shalt  }
0x7c: {  	_ =	shalt  }
0x7d: {  	_ =	shalt  }
0x7e: {  	_ =	shalt  }
0x7f: {  	_ =	shalt  }
0x80: {  	_ =	shalt  }
0x81: {  	_ =	shalt  }
0x82: {  	_ =	shalt  }
0x83: {  	_ =	shalt  }
0x84: {  	_ =	shalt  }
0x85: {  	_ =	shalt  }
0x86: {  	_ =	shalt  }
0x87: {  	_ =	shalt  }
.Lfunc_end0:
.L_simem_size_0:
called_computation_lowered:
.L_overlay_start_0:
0x88: {  	s2 =	sld [smem:$0x3FD9]  }
0x89: {  	s3 =	sld [smem:$0x3FFE];
	_ =	sdelay $0x1  }
0x8a: {  	s1 =	srdreg.scid  }
0x8b: {  	s0 =	sand.u32 $0x1, s1  }
0x8c: {  	s14 =	sshll.u32 s0, $0xA;
	s2 =	sadd.s32 s3, s2  }
0x8d: {  	s2 =	sadd.s32 s2, s14  }
0x8e: {  	[smem:$0x3F94] =	sst s2  }
0x8f: {  	_ = 	snop  }
0x90: {  	s2 =	sld [smem:$0x3FD0];
	_ =	sdelay $0x2  }
0x91: {  	s15 =	simm.s32 $0xA;
	s4 =	simm.s32 $0x10  }
0x92: {  	[smem:s4], [sflag:s15] =	dma.local [hbm:s2], $0x1  }
0x93: {  	_ =	swait.eq [sflag:s15], $0x1  }
0x94: {  	s16 =	sld [smem:$0x10]  }
0x95: {  	s17 =	sld [smem:$0x11];
	[sflag:s15] =	ssyncset.done $0x0  }
0x96: {  	s5 =	sld [smem:$0x12];
	[sflag:s15] =	ssyncadd.s32 $0xFFFFFFFF  }
0x97: {  	s18 =	sld [smem:$0x13];
	(tm) =	ssettm $0x1  }
0x98: {  	s6 =	sld [smem:$0x3FFB];
	_ =	sdelay $0x3  }
0x99: {  	_ =	strace s6  }
0x9a: {  	s6 =	sld [smem:$0x3FFC];
	_ =	sdelay $0x3  }
0x9b: {  	_ =	strace s6  }
0x9c: {  	s6 =	sld [smem:$0x3FFD];
	_ =	sdelay $0x3  }
0x9d: {  	_ =	strace s6  }
0x9e: {  	_ =	strace $0x8FFFFFFF  }
0x9f: {  	s19 =	sld [smem:$0x3FDB];
	_ =	sdelay $0x1  }
0xa0: {  	s7 =	simm.s32 $_scs_section_size  }
0xa1: {  	s8 =	simm.s32 $_size__tile_overlayer_lowered;
	s9 =	simm.s32 $_tile_overlayer_lowered  }
0xa2: {  	s22 =	simm.s32 $0x1BFF;
	s21 =	sshll.u32 s9, $0x1;
	s6 =	sadd.s32 s7, s19  }
0xa3: {  	s10 =	simm.s32 $0x0;
	s20 =	sshll.u32 s8, $0x1;
	s8 =	sadd.s32 s21, s6  }
0xa4: {  	[timem:s10], [sflag:s22] =	dma.local [hbm:s8], s20  }
0xa5: {  	_ =	swait.ge [sflag:s22], s20  }
0xa6: {  	s7 =	ssub.s32 $0x0, s20;
	[sflag:s22] =	ssyncset.done $0x0  }
0xa7: {  	[sflag:s22] =	ssyncadd.s32 s7;
	_ =	sdelay $0x1  }
0xa8: {  	s23 =	simm.s32 $0x1B8B  }
0xa9: {  	_ =	swait.ge [sflag:s23], $0x1  }
0xaa: {  	[sflag:s23] =	ssyncset.done $0x0  }
0xab: {  	s25 =	simm.s32 $0x1B8E;
	s24 =	sld [smem:$0x3FFE];
	[sflag:s23] =	ssyncadd.s32 $0xFFFFFFFF  }
0xac: {  	s26 =	simm.s32 $execute0_lowered;
	[smem:$0x3FD2] =	sst s25  }
0xad: {  	s8 =	sshll.u32 s26, $0x1;
	_ =	strace $0x80000046;
	[dreg:$0x1] =	wrdreg $0xFFFFFFFF  }
0xae: {  	s28 =	simm.s32 $_size_execute0_lowered;
	s6 =	sadd.s32 s6, s8;
	[dreg:$0x0] =	wrdreg $0x0  }
0xaf: {  	s8 =	sshll.u32 s28, $0x1;
	[dreg:$0x2] =	wrdreg s6  }
0xb0: {  	[dreg:$0x3] =	wrdreg s8  }
0xb1: {  	[dreg:$0x4] =	wrdreg $0xC0  }
0xb2: {  	_ =	task [dreg:s10], $0x5FFFF  }
0xb3: {  	[dreg:$0x1] =	wrdreg $0xFFFFFFFF  }
0xb4: {  	[dreg:$0x0] =	wrdreg $0x60  }
0xb5: {  	[dreg:$0x2] =	wrdreg s18  }
0xb6: {  	[dreg:$0x3] =	wrdreg s24  }
0xb7: {  	[dreg:$0x4] =	wrdreg s16  }
0xb8: {  	[dreg:$0x5] =	wrdreg s5  }
0xb9: {  	[dreg:$0x6] =	wrdreg s17  }
0xba: {  	[dreg:$0x7] =	wrdreg $0x94000  }
0xbb: {  	[dreg:$0x8] =	wrdreg $0x134000  }
0xbc: {  	[dreg:$0x9] =	wrdreg $0x9  }
0xbd: {  	_ =	task.clear_ibuf [dreg:s10], $0xAFFFF;
	_ =	strace $0x90000046  }
0xbe: {  	s29 =	simm.s32 $0x9;
	_ =	strace $0x80000048  }
0xbf: {  	_ =	swait.ge [sflag:s29], $0x1  }
0xc0: {  	[sflag:s29] =	ssyncadd.s32 $0xFFFFFFFF  }
0xc1: {  	_ =	strace $0x90000048  }
0xc2: {  	_ =	sfence  }
0xc3: {  	s30 =	sld [smem:$0x0];
	_ =	sdelay $0x2  }
0xc4: {  	s31 =	sshll.u32 s1, $0xD;
	s1 =	sshrl.u32 s1, $0x2  }
0xc5: {  	s3 =	sand.u32 $0x4000, s31;
	s1 =	sadd.s32 s1, s30  }
0xc6: {  	s0 =	sor.u32 s3, s0;
	s1 =	sshll.u32 s1, $0x11  }
0xc7: {  	s0 =	sor.u32 s1, s0  }
0xc8: {  	s0 =	sadd.s32 $0x8F2B, s0  }
0xc9: {  	[sflag:s0] =	ssyncadd.remote.s32 $0x1  }
0xca: {  	_ =	sfence.sel $0xFFFF  }
0xcb: {  	[dreg:$0x0] =	wrdreg $0xFFFFFFFF;
	(pc) =	sbr.abs _section_cstart, $3  }
0xcc: {  	[dreg:$0x1] =	wrdreg $0xFFFFFFFF  }
0xcd: {  	_ =	task.clear_ibuf [dreg:s10], $0x2FFFF;
	_ =	strace $0x9FFFFFFF  }
0xce: {  	(tm) =	ssettm $0x7FFFFFFF  }
0xcf: {  	_ =	shalt  }
tec
execute0_lowered:
.L_overlay_start_1:
0x0: {  	(tag) =	ssettag $0x1  }
0x1: {  	s0 =	rddreg [dreg:$0x0]  }
0x2: {  	s7 =	rddreg [dreg:$0x1]  }
0x3: {  	s9 =	rddreg [dreg:$0x2]  }
0x4: {  	s2 =	rddreg [dreg:$0x3]  }
0x5: {  	s13 =	rddreg [dreg:$0x4]  }
0x6: {  	s4 =	rddreg [dreg:$0x5]  }
0x7: {  	s1 =	srdreg.scid;
	s5 =	rddreg [dreg:$0x6];
	s6 =	simm.s32 $0x0  }
0x8: {  	s20 =	simm.s32 $0x80;
	s21 =	simm.s32 $0x5000;
	s22 =	simm.s32 $0x1  }
0x9: {  	s23 =	simm.s32 $0x7000;
	s8 =	sand.u32 $0x1, s1;
	s1 =	stileid.u32  }
0xa: {  	s28 =	simm.s32 $0x4F80;
	s29 =	simm.s32 $0x0;
	s11 =	smul.u32 $0xA000, s1  }
0xb: {  	[smem:$0x7FF] =	sst s6;
	s3 =	sshll.u32 s8, $0x4;
	s12 =	smul.u32 $0xA0000, s8  }
0xc: {  	_ =	strace $0x80000047;
	s15 =	ssub.s32 $0x2, s8;
	s16 =	smul.u32 $0x1400, s1  }
0xd: {  	s17 =	sshll.u32 s1, $0x6;
	s18 =	smul.u32 $0x14000, s8;
	s3 =	sor.u32 s1, s3  }
0xe: {  	s25 =	sshrl.u32 s15, $0x1;
	s8 =	sor.u32 $0x1C03, s17;
	s10 =	smul.u32 $0x500, s3  }
0xf: {  	s24 =	sshrl.u32 s11, $0x3;
	s12 =	sadd.s32 s11, s12;
	s15 =	ssub.s32 s15, s25  }
0x10: {  	s19 =	sadd.s32 s11, s4;
	s26 =	sadd.s32 s16, s5;
	s30 =	sshrl.u32 s16, $0x3  }
0x11: {  	s31 =	sadd.s32 s16, s18;
	s18 =	simm.s32 $0x2800;
	s25 =	simm.s32 $0x2780  }
0x12: {  	s12 =	sshrl.u32 s12, $0x3;
	s9 =	sadd.s32 s9, s30;
	s16 =	sshrl.u32 s31, $0x3  }
0x13: {  	s17 =	sshrl.u32 s26, $0x3;
	s26 =	simm.s32 $0x4F00;
	s14 =	sadd.s32 s10, s7  }
0x14: {  	s10 =	sadd.s32 s24, s7;
	s12 =	sadd.s32 s12, s7;
	s13 =	sadd.s32 s13, s16  }
0x15: {  	s16 =	simm.s32 $0x3;
	s24 =	simm.s32 $0x2;
	s7 =	sadd.s32 $0x19800, s10  }
0x16: {  	s10 =	sadd.s32 $0xF800, s14;
	s11 =	sadd.s32 $0x5800, s14;
	s12 =	sadd.s32 $0x2D800, s12  }
0x17: {  	s14 =	smax.u32 s15, $0x1;
	s15 =	sshrl.u32 s19, $0x3;
	s19 =	simm.s32 $0x9000  }
.LBB2_1:
0x18: {  	[spmem:s15], [sflag:s8] =	dma.local [hbm:s7], $0x1400  }
0x19: {  	_ =	swait.ge [sflag:s16], $0x1400  }
0x1a: {  	[sflag:s16] =	ssyncset.done $0x0  }
0x1b: {  	[sflag:s16] =	ssyncadd.s32 $0xFFFFEC00  }
0x1c: {  	[spmem:s17], [sflag:s8] =	dma.local [hbm:s9], $0x280  }
0x1d: {  	_ =	swait.ge [sflag:s16], $0x280  }
0x1e: {  	[sflag:s16] =	ssyncset.done $0x0  }
0x1f: {  	[sflag:s16] =	ssyncadd.s32 $0xFFFFFD80  }
0x20: {  	[tilespmem:s6], [sflag:$0x3] =	stream.linear.gather [hbm4b:s10+s6], $0x2800, $0x38;
	[tilespmem:$0x14800] =	vst v63  }
0x21: {  	_ =	swait.ge [sflag:s16], $0x2800  }
0x22: {  	[sflag:s16] =	ssyncset.done $0x0  }
0x23: {  	[sflag:s16] =	ssyncadd.s32 $0xFFFFD800  }
0x24: {  	[tilespmem:s18], [sflag:$0x3] =	stream.linear.gather [hbm4b:s11+s6], $0x2800, $0x38;
	[tilespmem:$0x14800] =	vst v63  }
0x25: {  	_ =	swait.ge [sflag:s16], $0x2800  }
0x26: {  	[sflag:s16] =	ssyncset.done $0x0  }
0x27: {  	[sflag:s16] =	ssyncadd.s32 $0xFFFFD800  }
0x28: {  	[tilespmem:s19], [sflag:$0x3] =	stream.linear.gather [hbm4b:s2+s6], $0x400, $0x38;
	[tilespmem:$0x14800] =	vst v63  }
0x29: {  	_ =	swait.ge [sflag:s16], $0x400  }
0x2a: {  	[sflag:s16] =	ssyncset.done $0x0  }
0x2b: {  	[sflag:s16] =	ssyncadd.s32 $0xFFFFFC00  }
0x2c: {  	[bflag:$0x0] =	sbarrier.arrive $0xFFFF  }
0x2d: {  	[tilespmem:s21], [sflag:$0x1] =	stream.indirect.gather [hbm4b:s0+s20], $0x40, s6, s20, $0xb8;
	[tilespmem:$0x14800] =	vst v63  }
0x2e: {  	_ =	swait.ge [sflag:s22], $0x2000  }
0x2f: {  	[sflag:s22] =	ssyncset.done $0x0  }
0x30: {  	s30 =	simm.s32 $0x80;
	[sflag:s22] =	ssyncadd.s32 $0xFFFFE000  }
0x31: {  	[tilespmem:s23], [sflag:$0x2] =	stream.indirect.gather [hbm4b:s0+s20], $0x40, s30, s20, $0xb8;
	[tilespmem:$0x14800] =	vst v63  }
0x32: {  	s30 =	simm.s32 $0x2800  }
0x33: {  	[spmem:s4] =	stream.indirect.scatter.add.f32 [tilespmem:s21], [sflag:$0x3], $0x40, s30, s20, $0xb8;
	[tilespmem:$0x14800] =	vst v63  }
0x34: {  	_ =	swait.ge [sflag:s16], $0x2000  }
0x35: {  	[sflag:s16] =	ssyncset.done $0x0  }
0x36: {  	[sflag:s16] =	ssyncadd.s32 $0xFFFFE000  }
0x37: {  	[spmem:s5] =	stream.indirect.scatter.add.f32 [tilespmem:s19], [sflag:$0x3], $0x8, s30, s20, $0xb8;
	[tilespmem:$0x14800] =	vst v63  }
0x38: {  	_ =	swait.ge [sflag:s16], $0x400  }
0x39: {  	[sflag:s16] =	ssyncset.done $0x0  }
0x3a: {  	[sflag:s16] =	ssyncadd.s32 $0xFFFFFC00  }
0x3b: {  	_ =	swait.ge [sflag:s24], $0x2000  }
0x3c: {  	[sflag:s24] =	ssyncset.done $0x0  }
0x3d: {  	s30 =	simm.s32 $0x100;
	[sflag:s24] =	ssyncadd.s32 $0xFFFFE000  }
0x3e: {  	[tilespmem:s21], [sflag:$0x1] =	stream.indirect.gather [hbm4b:s0+s20], $0x40, s30, s20, $0xb8;
	[tilespmem:$0x14800] =	vst v63  }
0x3f: {  	s30 =	simm.s32 $0x2880  }
0x40: {  	[spmem:s4] =	stream.indirect.scatter.add.f32 [tilespmem:s23], [sflag:$0x3], $0x40, s30, s20, $0xb8;
	[tilespmem:$0x14800] =	vst v63  }
0x41: {  	_ =	swait.ge [sflag:s16], $0x2000  }
0x42: {  	[sflag:s16] =	ssyncset.done $0x0  }
0x43: {  	[sflag:s16] =	ssyncadd.s32 $0xFFFFE000  }
0x44: {  	[spmem:s5] =	stream.indirect.scatter.add.f32 [tilespmem:s19], [sflag:$0x3], $0x8, s30, s20, $0xb8;
	[tilespmem:$0x14800] =	vst v63  }
0x45: {  	_ =	swait.ge [sflag:s16], $0x400  }
0x46: {  	s30 =	simm.s32 $0x400;
	[sflag:s16] =	ssyncset.done $0x0  }
.LBB2_2:
0x47: {  	p0 =	sne.s32 s30, $0x9800  }
0x48: {  	[sflag:s16] =	ssyncadd.s32 $0xFFFFFC00;
	s31 =	smov.u32 s30;
	s30 =	sadd.s32 $0x400, s30  }
0x49: {  	_ =	swait.ge [sflag:s22], $0x2000  }
0x4a: {  	s31 =	sshra.s32 s31, $0x2;
	[sflag:s22] =	ssyncset.done $0x0  }
0x4b: {  	s3 =	sadd.s32 $0x80, s31;
	[sflag:s22] =	ssyncadd.s32 $0xFFFFE000  }
0x4c: {  	[tilespmem:s23], [sflag:$0x2] =	stream.indirect.gather [hbm4b:s0+s20], $0x40, s3, s20, $0xb8;
	[tilespmem:$0x14800] =	vst v63  }
0x4d: {  	s3 =	sadd.s32 $0x2800, s31  }
0x4e: {  	[spmem:s4] =	stream.indirect.scatter.add.f32 [tilespmem:s21], [sflag:$0x3], $0x40, s3, s20, $0xb8;
	[tilespmem:$0x14800] =	vst v63  }
0x4f: {  	_ =	swait.ge [sflag:s16], $0x2000  }
0x50: {  	[sflag:s16] =	ssyncset.done $0x0  }
0x51: {  	[sflag:s16] =	ssyncadd.s32 $0xFFFFE000  }
0x52: {  	[spmem:s5] =	stream.indirect.scatter.add.f32 [tilespmem:s19], [sflag:$0x3], $0x8, s3, s20, $0xb8;
	[tilespmem:$0x14800] =	vst v63  }
0x53: {  	_ =	swait.ge [sflag:s16], $0x400  }
0x54: {  	[sflag:s16] =	ssyncset.done $0x0  }
0x55: {  	[sflag:s16] =	ssyncadd.s32 $0xFFFFFC00  }
0x56: {  	_ =	swait.ge [sflag:s24], $0x2000  }
0x57: {  	[sflag:s24] =	ssyncset.done $0x0  }
0x58: {  	s3 =	sadd.s32 $0x100, s31;
	[sflag:s24] =	ssyncadd.s32 $0xFFFFE000  }
0x59: {  	[tilespmem:s21], [sflag:$0x1] =	stream.indirect.gather [hbm4b:s0+s20], $0x40, s3, s20, $0xb8;
	[tilespmem:$0x14800] =	vst v63  }
0x5a: {  	s3 =	sadd.s32 $0x2880, s31  }
0x5b: {  	[spmem:s4] =	stream.indirect.scatter.add.f32 [tilespmem:s23], [sflag:$0x3], $0x40, s3, s20, $0xb8;
	[tilespmem:$0x14800] =	vst v63  }
0x5c: {  	_ =	swait.ge [sflag:s16], $0x2000  }
.Ltmp0:
0x5d: {  	[sflag:s16] =	ssyncset.done $0x0;
	(pc) =	sbr.rel @p0 .LBB2_2-.Ltmp0, $4  }
0x5e: {  	[sflag:s16] =	ssyncadd.s32 $0xFFFFE000  }
0x5f: {  	[spmem:s5] =	stream.indirect.scatter.add.f32 [tilespmem:s19], [sflag:$0x3], $0x8, s3, s20, $0xb8;
	[tilespmem:$0x14800] =	vst v63  }
0x60: {  	_ =	swait.ge [sflag:s16], $0x400  }
0x61: {  	[sflag:s16] =	ssyncset.done $0x0  }
0x62: {  	[sflag:s16] =	ssyncadd.s32 $0xFFFFFC00  }
0x63: {  	_ =	swait.ge [sflag:s22], $0x2000  }
0x64: {  	[sflag:s22] =	ssyncset.done $0x0  }
0x65: {  	[sflag:s22] =	ssyncadd.s32 $0xFFFFE000  }
0x66: {  	[tilespmem:s23], [sflag:$0x2] =	stream.indirect.gather [hbm4b:s0+s20], $0x40, s25, s20, $0xb8;
	[tilespmem:$0x14800] =	vst v63  }
0x67: {  	_ = 	snop  }
0x68: {  	[spmem:s4] =	stream.indirect.scatter.add.f32 [tilespmem:s21], [sflag:$0x3], $0x40, s26, s20, $0xb8;
	[tilespmem:$0x14800] =	vst v63  }
0x69: {  	_ =	swait.ge [sflag:s16], $0x2000  }
0x6a: {  	[sflag:s16] =	ssyncset.done $0x0  }
0x6b: {  	[sflag:s16] =	ssyncadd.s32 $0xFFFFE000  }
0x6c: {  	[spmem:s5] =	stream.indirect.scatter.add.f32 [tilespmem:s19], [sflag:$0x3], $0x8, s26, s20, $0xb8;
	[tilespmem:$0x14800] =	vst v63  }
0x6d: {  	_ =	swait.ge [sflag:s16], $0x400  }
0x6e: {  	[sflag:s16] =	ssyncset.done $0x0  }
0x6f: {  	[sflag:s16] =	ssyncadd.s32 $0xFFFFFC00  }
0x70: {  	_ =	swait.ge [sflag:s24], $0x2000  }
0x71: {  	[sflag:s24] =	ssyncset.done $0x0  }
0x72: {  	[sflag:s24] =	ssyncadd.s32 $0xFFFFE000  }
0x73: {  	[tilespmem:s21], [sflag:$0x1] =	stream.indirect.gather [hbm4b:s0+s20], $0x40, s25, s20, $0xb8;
	[tilespmem:$0x14800] =	vst v63  }
0x74: {  	_ = 	snop  }
0x75: {  	[spmem:s4] =	stream.indirect.scatter.add.f32 [tilespmem:s23], [sflag:$0x3], $0x40, s28, s20, $0xb8;
	[tilespmem:$0x14800] =	vst v63  }
0x76: {  	_ =	swait.ge [sflag:s16], $0x2000  }
0x77: {  	[sflag:s16] =	ssyncset.done $0x0  }
0x78: {  	[sflag:s16] =	ssyncadd.s32 $0xFFFFE000  }
0x79: {  	[spmem:s5] =	stream.indirect.scatter.add.f32 [tilespmem:s19], [sflag:$0x3], $0x8, s28, s20, $0xb8;
	[tilespmem:$0x14800] =	vst v63  }
0x7a: {  	_ =	swait.ge [sflag:s16], $0x400  }
0x7b: {  	[sflag:s16] =	ssyncset.done $0x0  }
0x7c: {  	[sflag:s16] =	ssyncadd.s32 $0xFFFFFC00  }
0x7d: {  	_ =	swait.ge [sflag:s22], $0x2000  }
0x7e: {  	[sflag:s22] =	ssyncset.done $0x0  }
0x7f: {  	[sflag:s22] =	ssyncadd.s32 $0xFFFFE000  }
0x80: {  	[bflag:$0x0] =	sbarrier.arrive $0xFFFF  }
0x81: {  	[hbm:s12], [sflag:s8] =	dma.local [spmem:s15], $0x1400  }
0x82: {  	s29 =	sadd.s32 $0x1, s29;
	_ =	swait.ge [sflag:s16], $0x1400  }
0x83: {  	p0 =	sne.s32 s29, s14;
	[sflag:s16] =	ssyncset.done $0x0  }
.Ltmp1:
0x84: {  	[sflag:s16] =	ssyncadd.s32 $0xFFFFEC00;
	(pc) =	sbr.rel @p0 .LBB2_1-.Ltmp1, $4  }
0x85: {  	[hbm:s13], [sflag:s8] =	dma.local [spmem:s17], $0x280  }
0x86: {  	_ =	swait.ge [sflag:s16], $0x280  }
0x87: {  	[sflag:s16] =	ssyncset.done $0x0  }
0x88: {  	[sflag:s16] =	ssyncadd.s32 $0xFFFFFD80  }
0x89: {  	_ =	sfence.sel $0x180000  }
0x8a: {  	[bflag:$0x0] =	sbarrier.arrive $0xFFFF  }
0x8b: {  	_ =	strace $0x90000047  }
0x8c: {  	[bflag:$0x2] =	sbarrier.arrive $0xFFFF  }
0x8d: {  	p0 =	sne.s32 s1, $0x0;
	s0 =	rddreg [dreg:$0x7]  }
0x8e: {  	s0 =	sadd.s32 @!p0 $0x100000, s0  }
0x8f: {  	[sflag:s0] =	ssyncadd.tile.s32 @!p0 $0x1;
	_ =	shalt  }
.Lfunc_end2:
_tile_overlayer_lowered:
.L_overlay_start_2:
0x90: {  	(tag) =	ssettag $0x2  }
0x91: {  	s0 =	rddreg [dreg:$0x0];
	s2 =	stileid.u32  }
0x92: {  	s1 =	rddreg [dreg:$0x1];
	p0 =	sne.s32 s2, $0x0  }
0x93: {  	s3 =	rddreg [dreg:$0x2];
	[bflag:$0x3] =	sbarrier.arrive $0xFFFF;
	s2 =	simm.s32 @!p0 $0x1C03  }
0x94: {  	[timem:s3], [sflag:s2] =	dma.local @!p0 [hbm:s0], s1  }
0x95: {  	s0 =	simm.s32 @!p0 $0x3  }
0x96: {  	_ =	swait.ge @!p0 [sflag:s0], s1  }
0x97: {  	s1 =	ssub.s32 @!p0 $0x0, s1;
	[sflag:s0] =	ssyncset.done @!p0 $0x0  }
0x98: {  	[sflag:s0] =	ssyncadd.s32 @!p0 s1  }
0x99: {  	[bflag:$0x3] =	sbarrier.arrive $0xFFFF  }
0x9a: {  	_ =	shalt  }

</sc_bundles>
